<compile_context>
chip_gen: v7x
topology: tpu7x:2x2x1
jax: 0.10.2.dev20260603
libtpu: 0.0.44.dev20260713+nightly
codegen_flags: <defaults>
</compile_context>

<pallas_src>
import functools

import jax
import jax.numpy as jnp
from jax import lax
from jax.experimental import pallas as pl
from jax.experimental.pallas import tpu as pltpu
from jax.experimental.pallas import tpu_sc as plsc

B = 16384
MF_DIM = 16
MLP_DIM = 32

NC, NS = 2, 16
NW = NC * NS
BPW = B // NW
CHUNK = 128
NCHUNK = BPW // CHUNK


def _sc_gather_body(user3, item3, mf_u_t, mf_i_t, ml_u_t, ml_i_t,
                    mf_out, mlu_out, mli_out,
                    uidx, iidx, bmfu, bmfi, bmlu, bmli, sem_mf, sem_ml):
    wid = lax.axis_index("s") * NC + lax.axis_index("c")
    base = wid * BPW
    pltpu.sync_copy(user3.at[wid], uidx)
    pltpu.sync_copy(item3.at[wid], iidx)

    handles_mf = []
    handles_ml = []
    for j in range(NCHUNK):
        sl = pl.ds(j * CHUNK, CHUNK)
        handles_mf.append(pltpu.async_copy(mf_u_t.at[uidx.at[j]], bmfu.at[sl], sem_mf))
        handles_mf.append(pltpu.async_copy(mf_i_t.at[iidx.at[j]], bmfi.at[sl], sem_mf))
        handles_ml.append(pltpu.async_copy(ml_u_t.at[uidx.at[j]], bmlu.at[sl], sem_ml))
        handles_ml.append(pltpu.async_copy(ml_i_t.at[iidx.at[j]], bmli.at[sl], sem_ml))
    for h in handles_mf:
        h.wait()

    def mul_row(i, _):
        bmfu[i] = bmfu[i] * bmfi[i]
        return 0
    lax.fori_loop(0, BPW, mul_row, 0, unroll=8)

    pltpu.sync_copy(bmfu, mf_out.at[pl.ds(base, BPW)])
    for h in handles_ml:
        h.wait()
    pltpu.sync_copy(bmlu, mlu_out.at[pl.ds(base, BPW)])
    pltpu.sync_copy(bmli, mli_out.at[pl.ds(base, BPW)])


_sc_gather = functools.partial(
    pl.kernel,
    out_type=[
        jax.ShapeDtypeStruct((B, MF_DIM), jnp.float32),
        jax.ShapeDtypeStruct((B, MLP_DIM), jnp.float32),
        jax.ShapeDtypeStruct((B, MLP_DIM), jnp.float32),
    ],
    mesh=plsc.VectorSubcoreMesh(core_axis_name="c", subcore_axis_name="s"),
    compiler_params=pltpu.CompilerParams(use_tc_tiling_on_sc=False),
    scratch_types=[
        pltpu.VMEM((NCHUNK, CHUNK), jnp.int32),
        pltpu.VMEM((NCHUNK, CHUNK), jnp.int32),
        pltpu.VMEM((BPW, MF_DIM), jnp.float32),
        pltpu.VMEM((BPW, MF_DIM), jnp.float32),
        pltpu.VMEM((BPW, MLP_DIM), jnp.float32),
        pltpu.VMEM((BPW, MLP_DIM), jnp.float32),
        pltpu.SemaphoreType.DMA,
        pltpu.SemaphoreType.DMA,
    ],
)(_sc_gather_body)


B_TC = 2048


def _mlp_body(mf_ref, u_ref, i_ref, w1u_ref, w1i_ref, b1_ref, w2_ref, b2_ref,
              woa_ref, wob_ref, bo_ref, out_ref):
    h1 = jnp.dot(u_ref[...], w1u_ref[...], preferred_element_type=jnp.float32)
    h1 += jnp.dot(i_ref[...], w1i_ref[...], preferred_element_type=jnp.float32)
    h1 = jnp.maximum(h1 + b1_ref[...], 0.0)
    h2 = jnp.dot(h1, w2_ref[...], preferred_element_type=jnp.float32)
    h2 = jnp.maximum(h2 + b2_ref[...], 0.0)
    out = jnp.dot(mf_ref[...], woa_ref[...], preferred_element_type=jnp.float32)
    out += jnp.dot(h2, wob_ref[...], preferred_element_type=jnp.float32)
    out_ref[...] = out + bo_ref[...]


def _mlp(mf_out, mlu, mli, w1u, w1i, b1, w2, b2, woa, wob, bo):
    grid = (B // B_TC,)
    full = lambda r, c: pl.BlockSpec((r, c), lambda i: (0, 0))
    return pl.pallas_call(
        _mlp_body,
        grid=grid,
        in_specs=[
            pl.BlockSpec((B_TC, MF_DIM), lambda i: (i, 0)),
            pl.BlockSpec((B_TC, MLP_DIM), lambda i: (i, 0)),
            pl.BlockSpec((B_TC, MLP_DIM), lambda i: (i, 0)),
            full(MLP_DIM, 64),
            full(MLP_DIM, 64),
            full(1, 64),
            full(64, MLP_DIM),
            full(1, MLP_DIM),
            full(MF_DIM, 1),
            full(MLP_DIM, 1),
            full(1, 1),
        ],
        out_specs=pl.BlockSpec((B_TC, 1), lambda i: (i, 0)),
        out_shape=jax.ShapeDtypeStruct((B, 1), jnp.float32),
    )(mf_out, mlu, mli, w1u, w1i, b1, w2, b2, woa, wob, bo)


def kernel(user, item, mf_user_t, mf_item_t, mlp_user_t, mlp_item_t,
           W1, b1, W2, b2, Wo, bo):
    user3 = user.reshape(NW, NCHUNK, CHUNK)
    item3 = item.reshape(NW, NCHUNK, CHUNK)
    mf_out, mlu, mli = _sc_gather(user3, item3, mf_user_t, mf_item_t,
                                  mlp_user_t, mlp_item_t)
    w1u = W1[:, :MLP_DIM].T
    w1i = W1[:, MLP_DIM:].T
    woa = Wo[:, :MF_DIM].T
    wob = Wo[:, MF_DIM:].T
    return _mlp(mf_out, mlu, mli, w1u, w1i, b1[None, :], W2.T,
                b2[None, :], woa, wob, bo[None, :])

# --- scband reference (transcript-rebuilt; emitter-appended) ---
"""Pipeline reference for scband-neu-mf-34402688041328 (READ-ONLY COPY).

The authoritative reference and input builder live on the scoring server;
editing this copy changes nothing except your own understanding.
"""

import jax, jax.numpy as jnp
import numpy as np

B = 16384
NUM_USERS = 1000000
NUM_ITEMS = 1000000
MF_DIM = 16
MLP_DIM = 32


def setup_inputs(seed: int = 0) -> dict:
    key = jax.random.key(seed)
    ks = jax.random.split(key, 12)
    user = jax.random.randint(ks[0], (B,), 0, NUM_USERS, dtype=jnp.int64 if jax.config.jax_enable_x64 else jnp.int32).astype(jnp.int32)
    item = jax.random.randint(ks[1], (B,), 0, NUM_ITEMS, dtype=jnp.int64 if jax.config.jax_enable_x64 else jnp.int32).astype(jnp.int32)
    mf_user_t = jax.random.normal(ks[2], (NUM_USERS, MF_DIM), jnp.float32) * 0.02
    mf_item_t = jax.random.normal(ks[3], (NUM_ITEMS, MF_DIM), jnp.float32) * 0.02
    mlp_user_t = jax.random.normal(ks[4], (NUM_USERS, MLP_DIM), jnp.float32) * 0.02
    mlp_item_t = jax.random.normal(ks[5], (NUM_ITEMS, MLP_DIM), jnp.float32) * 0.02
    W1 = jax.random.normal(ks[6], (64, MLP_DIM * 2), jnp.float32) * 0.05
    b1 = jnp.zeros((64,), jnp.float32)
    W2 = jax.random.normal(ks[7], (32, 64), jnp.float32) * 0.05
    b2 = jnp.zeros((32,), jnp.float32)
    Wo = jax.random.normal(ks[8], (1, MF_DIM + 32), jnp.float32) * 0.05
    bo = jnp.zeros((1,), jnp.float32)
    return {
        'user': user, 'item': item,
        'mf_user_t': mf_user_t, 'mf_item_t': mf_item_t,
        'mlp_user_t': mlp_user_t, 'mlp_item_t': mlp_item_t,
        'W1': W1, 'b1': b1, 'W2': W2, 'b2': b2, 'Wo': Wo, 'bo': bo,
    }


def reference(user, item, mf_user_t, mf_item_t, mlp_user_t, mlp_item_t, W1, b1, W2, b2, Wo, bo):
    # GMF branch: elementwise product of gathered embeddings
    mf_out = jnp.take(mf_user_t, user, axis=0) * jnp.take(mf_item_t, item, axis=0)
    # MLP branch
    mlp_in = jnp.concatenate([jnp.take(mlp_user_t, user, axis=0),
                              jnp.take(mlp_item_t, item, axis=0)], axis=1)
    h = jax.nn.relu(mlp_in @ W1.T + b1)
    h = jax.nn.relu(h @ W2.T + b2)
    combined = jnp.concatenate([mf_out, h], axis=1)
    return combined @ Wo.T + bo

if __name__ == "__main__":
    import jax
    _d = setup_inputs()
    print(jax.jit(kernel)(*tuple(_d.values())))

</pallas_src>

<mosaic_0001>
#map = affine_map<(d0, d1) -> (0, 0, 0)>
#map1 = affine_map<(d0, d1) -> (0, 0)>
module attributes {stable_mosaic.version = 14 : i64} {
  func.func @_sc_gather_body(%arg0: i32, %arg1: i32, %arg2: memref<32x4x128xi32, #tpu.memory_space<hbm>>, %arg3: memref<32x4x128xi32, #tpu.memory_space<hbm>>, %arg4: memref<1000000x16xf32, #tpu.memory_space<hbm>>, %arg5: memref<1000000x16xf32, #tpu.memory_space<hbm>>, %arg6: memref<1000000x32xf32, #tpu.memory_space<hbm>>, %arg7: memref<1000000x32xf32, #tpu.memory_space<hbm>>, %arg8: memref<16384x16xf32, #tpu.memory_space<hbm>>, %arg9: memref<16384x32xf32, #tpu.memory_space<hbm>>, %arg10: memref<16384x32xf32, #tpu.memory_space<hbm>>, %arg11: memref<4x128xi32, #tpu.memory_space<vmem>>, %arg12: memref<4x128xi32, #tpu.memory_space<vmem>>, %arg13: memref<512x16xf32, #tpu.memory_space<vmem>>, %arg14: memref<512x16xf32, #tpu.memory_space<vmem>>, %arg15: memref<512x32xf32, #tpu.memory_space<vmem>>, %arg16: memref<512x32xf32, #tpu.memory_space<vmem>>, %arg17: memref<!tpu.dma_semaphore, #tpu.memory_space<semaphore_mem>>, %arg18: memref<!tpu.dma_semaphore, #tpu.memory_space<semaphore_mem>>) attributes {dimension_semantics = [#tpu.dimension_semantics<core_parallel>, #tpu.dimension_semantics<subcore_parallel>], iteration_bounds = array<i64: 2, 16>, scalar_prefetch = 0 : i64, scratch_operands = 8 : i64, tpu.core_type = #tpu.core_type<sc_vector_subcore>, window_params = [{transform_indices = #map}, {transform_indices = #map}, {transform_indices = #map1}, {transform_indices = #map1}, {transform_indices = #map1}, {transform_indices = #map1}, {transform_indices = #map1}, {transform_indices = #map1}, {transform_indices = #map1}]} {
    %mul3A = arith.constant 2 : i32
    %mul3A_0 = arith.muli %arg1, %mul3A : i32
    %add3A = arith.addi %mul3A_0, %arg0 : i32
    %mul3A_1 = arith.constant 512 : i32
    %mul3A_2 = arith.muli %add3A, %mul3A_1 : i32
    "tpu.region"() ({
      %run_scoped3A = tpu.sem_alloc : memref<!tpu.dma_semaphore, #tpu.memory_space<semaphore_mem>>
      %dma_start3A_327 = arith.constant 0 : i32
      %dma_start3A_328 = arith.constant 0 : i32
      %dma_start3A_329 = tpu.memref_slice %arg2[%add3A, %dma_start3A_327, %dma_start3A_328] : memref<32x4x128xi32, #tpu.memory_space<hbm>> -> memref<1x4x128xi32, #tpu.memory_space<hbm>>
      %dma_start3A_330 = tpu.memref_squeeze %dma_start3A_329 : memref<1x4x128xi32, #tpu.memory_space<hbm>> -> memref<4x128xi32, #tpu.memory_space<hbm>>
      %dma_start3A_331 = arith.constant 0 : i32
      %dma_start3A_332 = arith.constant 0 : i32
      %dma_start3A_333 = tpu.memref_slice %arg2[%add3A, %dma_start3A_331, %dma_start3A_332] : memref<32x4x128xi32, #tpu.memory_space<hbm>> -> memref<1x4x128xi32, #tpu.memory_space<hbm>>
      %dma_start3A_334 = tpu.memref_squeeze %dma_start3A_333 : memref<1x4x128xi32, #tpu.memory_space<hbm>> -> memref<4x128xi32, #tpu.memory_space<hbm>>
      tpu.enqueue_dma source(%dma_start3A_334 : memref<4x128xi32, #tpu.memory_space<hbm>>) target(%arg11 : memref<4x128xi32, #tpu.memory_space<vmem>>) target_semaphore(%run_scoped3A : memref<!tpu.dma_semaphore, #tpu.memory_space<semaphore_mem>>)
      %dma_wait3A_335 = arith.constant 0 : i32
      %dma_wait3A_336 = arith.constant 0 : i32
      %dma_wait3A_337 = tpu.memref_slice %arg2[%add3A, %dma_wait3A_335, %dma_wait3A_336] : memref<32x4x128xi32, #tpu.memory_space<hbm>> -> memref<1x4x128xi32, #tpu.memory_space<hbm>>
      %dma_wait3A_338 = tpu.memref_squeeze %dma_wait3A_337 : memref<1x4x128xi32, #tpu.memory_space<hbm>> -> memref<4x128xi32, #tpu.memory_space<hbm>>
      %dma_wait3A_339 = arith.constant 0 : i32
      %dma_wait3A_340 = arith.constant 0 : i32
      %dma_wait3A_341 = tpu.memref_slice %arg2[%add3A, %dma_wait3A_339, %dma_wait3A_340] : memref<32x4x128xi32, #tpu.memory_space<hbm>> -> memref<1x4x128xi32, #tpu.memory_space<hbm>>
      %dma_wait3A_342 = tpu.memref_squeeze %dma_wait3A_341 : memref<1x4x128xi32, #tpu.memory_space<hbm>> -> memref<4x128xi32, #tpu.memory_space<hbm>>
      tpu.wait_dma2 semaphore(%run_scoped3A : memref<!tpu.dma_semaphore, #tpu.memory_space<semaphore_mem>>) src(%dma_wait3A_342 : memref<4x128xi32, #tpu.memory_space<hbm>>) dst(%arg11 : memref<4x128xi32, #tpu.memory_space<vmem>>)
      tpu.yield
    }) : () -> ()
    "tpu.region"() ({
      %run_scoped3A = tpu.sem_alloc : memref<!tpu.dma_semaphore, #tpu.memory_space<semaphore_mem>>
      %dma_start3A_327 = arith.constant 0 : i32
      %dma_start3A_328 = arith.constant 0 : i32
      %dma_start3A_329 = tpu.memref_slice %arg3[%add3A, %dma_start3A_327, %dma_start3A_328] : memref<32x4x128xi32, #tpu.memory_space<hbm>> -> memref<1x4x128xi32, #tpu.memory_space<hbm>>
      %dma_start3A_330 = tpu.memref_squeeze %dma_start3A_329 : memref<1x4x128xi32, #tpu.memory_space<hbm>> -> memref<4x128xi32, #tpu.memory_space<hbm>>
      %dma_start3A_331 = arith.constant 0 : i32
      %dma_start3A_332 = arith.constant 0 : i32
      %dma_start3A_333 = tpu.memref_slice %arg3[%add3A, %dma_start3A_331, %dma_start3A_332] : memref<32x4x128xi32, #tpu.memory_space<hbm>> -> memref<1x4x128xi32, #tpu.memory_space<hbm>>
      %dma_start3A_334 = tpu.memref_squeeze %dma_start3A_333 : memref<1x4x128xi32, #tpu.memory_space<hbm>> -> memref<4x128xi32, #tpu.memory_space<hbm>>
      tpu.enqueue_dma source(%dma_start3A_334 : memref<4x128xi32, #tpu.memory_space<hbm>>) target(%arg12 : memref<4x128xi32, #tpu.memory_space<vmem>>) target_semaphore(%run_scoped3A : memref<!tpu.dma_semaphore, #tpu.memory_space<semaphore_mem>>)
      %dma_wait3A_335 = arith.constant 0 : i32
      %dma_wait3A_336 = arith.constant 0 : i32
      %dma_wait3A_337 = tpu.memref_slice %arg3[%add3A, %dma_wait3A_335, %dma_wait3A_336] : memref<32x4x128xi32, #tpu.memory_space<hbm>> -> memref<1x4x128xi32, #tpu.memory_space<hbm>>
      %dma_wait3A_338 = tpu.memref_squeeze %dma_wait3A_337 : memref<1x4x128xi32, #tpu.memory_space<hbm>> -> memref<4x128xi32, #tpu.memory_space<hbm>>
      %dma_wait3A_339 = arith.constant 0 : i32
      %dma_wait3A_340 = arith.constant 0 : i32
      %dma_wait3A_341 = tpu.memref_slice %arg3[%add3A, %dma_wait3A_339, %dma_wait3A_340] : memref<32x4x128xi32, #tpu.memory_space<hbm>> -> memref<1x4x128xi32, #tpu.memory_space<hbm>>
      %dma_wait3A_342 = tpu.memref_squeeze %dma_wait3A_341 : memref<1x4x128xi32, #tpu.memory_space<hbm>> -> memref<4x128xi32, #tpu.memory_space<hbm>>
      tpu.wait_dma2 semaphore(%run_scoped3A : memref<!tpu.dma_semaphore, #tpu.memory_space<semaphore_mem>>) src(%dma_wait3A_342 : memref<4x128xi32, #tpu.memory_space<hbm>>) dst(%arg12 : memref<4x128xi32, #tpu.memory_space<vmem>>)
      tpu.yield
    }) : () -> ()
    %dma_start3A = arith.constant 0 : i32
    %dma_start3A_3 = arith.constant 0 : i32
    %dma_start3A_4 = arith.constant 0 : i32
    %dma_start3A_5 = tpu.memref_slice %arg13[%dma_start3A_3, %dma_start3A_4] : memref<512x16xf32, #tpu.memory_space<vmem>> -> memref<128x16xf32, #tpu.memory_space<vmem>>
    %dma_start3A_6 = arith.constant 0 : i32
    %dma_start3A_7 = tpu.memref_slice %arg11[%dma_start3A, %dma_start3A_6] : memref<4x128xi32, #tpu.memory_space<vmem>> -> memref<1x128xi32, #tpu.memory_space<vmem>>
    %dma_start3A_8 = tpu.memref_squeeze %dma_start3A_7 : memref<1x128xi32, #tpu.memory_space<vmem>> -> memref<128xi32, #tpu.memory_space<vmem>>
    %dma_start3A_9 = arith.constant 0 : i32
    %dma_start3A_10 = arith.constant 0 : i32
    %dma_start3A_11 = tpu.memref_slice %arg4[%dma_start3A_9, %dma_start3A_10] : memref<1000000x16xf32, #tpu.memory_space<hbm>> -> memref<1000000x16xf32, #tpu.memory_space<hbm>>
    tpu.enqueue_indirect_dma source(%dma_start3A_11 : memref<1000000x16xf32, #tpu.memory_space<hbm>>) target(%dma_start3A_5 : memref<128x16xf32, #tpu.memory_space<vmem>>) offsets(%dma_start3A_8 : memref<128xi32, #tpu.memory_space<vmem>>) semaphore(%arg17 : memref<!tpu.dma_semaphore, #tpu.memory_space<semaphore_mem>>)
    %dma_start3A_12 = arith.constant 0 : i32
    %dma_start3A_13 = arith.constant 0 : i32
    %dma_start3A_14 = arith.constant 0 : i32
    %dma_start3A_15 = tpu.memref_slice %arg14[%dma_start3A_13, %dma_start3A_14] : memref<512x16xf32, #tpu.memory_space<vmem>> -> memref<128x16xf32, #tpu.memory_space<vmem>>
    %dma_start3A_16 = arith.constant 0 : i32
    %dma_start3A_17 = tpu.memref_slice %arg12[%dma_start3A_12, %dma_start3A_16] : memref<4x128xi32, #tpu.memory_space<vmem>> -> memref<1x128xi32, #tpu.memory_space<vmem>>
    %dma_start3A_18 = tpu.memref_squeeze %dma_start3A_17 : memref<1x128xi32, #tpu.memory_space<vmem>> -> memref<128xi32, #tpu.memory_space<vmem>>
    %dma_start3A_19 = arith.constant 0 : i32
    %dma_start3A_20 = arith.constant 0 : i32
    %dma_start3A_21 = tpu.memref_slice %arg5[%dma_start3A_19, %dma_start3A_20] : memref<1000000x16xf32, #tpu.memory_space<hbm>> -> memref<1000000x16xf32, #tpu.memory_space<hbm>>
    tpu.enqueue_indirect_dma source(%dma_start3A_21 : memref<1000000x16xf32, #tpu.memory_space<hbm>>) target(%dma_start3A_15 : memref<128x16xf32, #tpu.memory_space<vmem>>) offsets(%dma_start3A_18 : memref<128xi32, #tpu.memory_space<vmem>>) semaphore(%arg17 : memref<!tpu.dma_semaphore, #tpu.memory_space<semaphore_mem>>)
    %dma_start3A_22 = arith.constant 0 : i32
    %dma_start3A_23 = arith.constant 0 : i32
    %dma_start3A_24 = arith.constant 0 : i32
    %dma_start3A_25 = tpu.memref_slice %arg15[%dma_start3A_23, %dma_start3A_24] : memref<512x32xf32, #tpu.memory_space<vmem>> -> memref<128x32xf32, #tpu.memory_space<vmem>>
    %dma_start3A_26 = arith.constant 0 : i32
    %dma_start3A_27 = tpu.memref_slice %arg11[%dma_start3A_22, %dma_start3A_26] : memref<4x128xi32, #tpu.memory_space<vmem>> -> memref<1x128xi32, #tpu.memory_space<vmem>>
    %dma_start3A_28 = tpu.memref_squeeze %dma_start3A_27 : memref<1x128xi32, #tpu.memory_space<vmem>> -> memref<128xi32, #tpu.memory_space<vmem>>
    %dma_start3A_29 = arith.constant 0 : i32
    %dma_start3A_30 = arith.constant 0 : i32
    %dma_start3A_31 = tpu.memref_slice %arg6[%dma_start3A_29, %dma_start3A_30] : memref<1000000x32xf32, #tpu.memory_space<hbm>> -> memref<1000000x32xf32, #tpu.memory_space<hbm>>
    tpu.enqueue_indirect_dma source(%dma_start3A_31 : memref<1000000x32xf32, #tpu.memory_space<hbm>>) target(%dma_start3A_25 : memref<128x32xf32, #tpu.memory_space<vmem>>) offsets(%dma_start3A_28 : memref<128xi32, #tpu.memory_space<vmem>>) semaphore(%arg18 : memref<!tpu.dma_semaphore, #tpu.memory_space<semaphore_mem>>)
    %dma_start3A_32 = arith.constant 0 : i32
    %dma_start3A_33 = arith.constant 0 : i32
    %dma_start3A_34 = arith.constant 0 : i32
    %dma_start3A_35 = tpu.memref_slice %arg16[%dma_start3A_33, %dma_start3A_34] : memref<512x32xf32, #tpu.memory_space<vmem>> -> memref<128x32xf32, #tpu.memory_space<vmem>>
    %dma_start3A_36 = arith.constant 0 : i32
    %dma_start3A_37 = tpu.memref_slice %arg12[%dma_start3A_32, %dma_start3A_36] : memref<4x128xi32, #tpu.memory_space<vmem>> -> memref<1x128xi32, #tpu.memory_space<vmem>>
    %dma_start3A_38 = tpu.memref_squeeze %dma_start3A_37 : memref<1x128xi32, #tpu.memory_space<vmem>> -> memref<128xi32, #tpu.memory_space<vmem>>
    %dma_start3A_39 = arith.constant 0 : i32
    %dma_start3A_40 = arith.constant 0 : i32
    %dma_start3A_41 = tpu.memref_slice %arg7[%dma_start3A_39, %dma_start3A_40] : memref<1000000x32xf32, #tpu.memory_space<hbm>> -> memref<1000000x32xf32, #tpu.memory_space<hbm>>
    tpu.enqueue_indirect_dma source(%dma_start3A_41 : memref<1000000x32xf32, #tpu.memory_space<hbm>>) target(%dma_start3A_35 : memref<128x32xf32, #tpu.memory_space<vmem>>) offsets(%dma_start3A_38 : memref<128xi32, #tpu.memory_space<vmem>>) semaphore(%arg18 : memref<!tpu.dma_semaphore, #tpu.memory_space<semaphore_mem>>)
    %dma_start3A_42 = arith.constant 1 : i32
    %dma_start3A_43 = arith.constant 128 : i32
    %dma_start3A_44 = arith.constant 0 : i32
    %dma_start3A_45 = tpu.memref_slice %arg13[%dma_start3A_43, %dma_start3A_44] : memref<512x16xf32, #tpu.memory_space<vmem>> -> memref<128x16xf32, #tpu.memory_space<vmem>>
    %dma_start3A_46 = arith.constant 0 : i32
    %dma_start3A_47 = tpu.memref_slice %arg11[%dma_start3A_42, %dma_start3A_46] : memref<4x128xi32, #tpu.memory_space<vmem>> -> memref<1x128xi32, #tpu.memory_space<vmem>>
    %dma_start3A_48 = tpu.memref_squeeze %dma_start3A_47 : memref<1x128xi32, #tpu.memory_space<vmem>> -> memref<128xi32, #tpu.memory_space<vmem>>
    %dma_start3A_49 = arith.constant 0 : i32
    %dma_start3A_50 = arith.constant 0 : i32
    %dma_start3A_51 = tpu.memref_slice %arg4[%dma_start3A_49, %dma_start3A_50] : memref<1000000x16xf32, #tpu.memory_space<hbm>> -> memref<1000000x16xf32, #tpu.memory_space<hbm>>
    tpu.enqueue_indirect_dma source(%dma_start3A_51 : memref<1000000x16xf32, #tpu.memory_space<hbm>>) target(%dma_start3A_45 : memref<128x16xf32, #tpu.memory_space<vmem>>) offsets(%dma_start3A_48 : memref<128xi32, #tpu.memory_space<vmem>>) semaphore(%arg17 : memref<!tpu.dma_semaphore, #tpu.memory_space<semaphore_mem>>)
    %dma_start3A_52 = arith.constant 1 : i32
    %dma_start3A_53 = arith.constant 128 : i32
    %dma_start3A_54 = arith.constant 0 : i32
    %dma_start3A_55 = tpu.memref_slice %arg14[%dma_start3A_53, %dma_start3A_54] : memref<512x16xf32, #tpu.memory_space<vmem>> -> memref<128x16xf32, #tpu.memory_space<vmem>>
    %dma_start3A_56 = arith.constant 0 : i32
    %dma_start3A_57 = tpu.memref_slice %arg12[%dma_start3A_52, %dma_start3A_56] : memref<4x128xi32, #tpu.memory_space<vmem>> -> memref<1x128xi32, #tpu.memory_space<vmem>>
    %dma_start3A_58 = tpu.memref_squeeze %dma_start3A_57 : memref<1x128xi32, #tpu.memory_space<vmem>> -> memref<128xi32, #tpu.memory_space<vmem>>
    %dma_start3A_59 = arith.constant 0 : i32
    %dma_start3A_60 = arith.constant 0 : i32
    %dma_start3A_61 = tpu.memref_slice %arg5[%dma_start3A_59, %dma_start3A_60] : memref<1000000x16xf32, #tpu.memory_space<hbm>> -> memref<1000000x16xf32, #tpu.memory_space<hbm>>
    tpu.enqueue_indirect_dma source(%dma_start3A_61 : memref<1000000x16xf32, #tpu.memory_space<hbm>>) target(%dma_start3A_55 : memref<128x16xf32, #tpu.memory_space<vmem>>) offsets(%dma_start3A_58 : memref<128xi32, #tpu.memory_space<vmem>>) semaphore(%arg17 : memref<!tpu.dma_semaphore, #tpu.memory_space<semaphore_mem>>)
    %dma_start3A_62 = arith.constant 1 : i32
    %dma_start3A_63 = arith.constant 128 : i32
    %dma_start3A_64 = arith.constant 0 : i32
    %dma_start3A_65 = tpu.memref_slice %arg15[%dma_start3A_63, %dma_start3A_64] : memref<512x32xf32, #tpu.memory_space<vmem>> -> memref<128x32xf32, #tpu.memory_space<vmem>>
    %dma_start3A_66 = arith.constant 0 : i32
    %dma_start3A_67 = tpu.memref_slice %arg11[%dma_start3A_62, %dma_start3A_66] : memref<4x128xi32, #tpu.memory_space<vmem>> -> memref<1x128xi32, #tpu.memory_space<vmem>>
    %dma_start3A_68 = tpu.memref_squeeze %dma_start3A_67 : memref<1x128xi32, #tpu.memory_space<vmem>> -> memref<128xi32, #tpu.memory_space<vmem>>
    %dma_start3A_69 = arith.constant 0 : i32
    %dma_start3A_70 = arith.constant 0 : i32
    %dma_start3A_71 = tpu.memref_slice %arg6[%dma_start3A_69, %dma_start3A_70] : memref<1000000x32xf32, #tpu.memory_space<hbm>> -> memref<1000000x32xf32, #tpu.memory_space<hbm>>
    tpu.enqueue_indirect_dma source(%dma_start3A_71 : memref<1000000x32xf32, #tpu.memory_space<hbm>>) target(%dma_start3A_65 : memref<128x32xf32, #tpu.memory_space<vmem>>) offsets(%dma_start3A_68 : memref<128xi32, #tpu.memory_space<vmem>>) semaphore(%arg18 : memref<!tpu.dma_semaphore, #tpu.memory_space<semaphore_mem>>)
    %dma_start3A_72 = arith.constant 1 : i32
    %dma_start3A_73 = arith.constant 128 : i32
    %dma_start3A_74 = arith.constant 0 : i32
    %dma_start3A_75 = tpu.memref_slice %arg16[%dma_start3A_73, %dma_start3A_74] : memref<512x32xf32, #tpu.memory_space<vmem>> -> memref<128x32xf32, #tpu.memory_space<vmem>>
    %dma_start3A_76 = arith.constant 0 : i32
    %dma_start3A_77 = tpu.memref_slice %arg12[%dma_start3A_72, %dma_start3A_76] : memref<4x128xi32, #tpu.memory_space<vmem>> -> memref<1x128xi32, #tpu.memory_space<vmem>>
    %dma_start3A_78 = tpu.memref_squeeze %dma_start3A_77 : memref<1x128xi32, #tpu.memory_space<vmem>> -> memref<128xi32, #tpu.memory_space<vmem>>
    %dma_start3A_79 = arith.constant 0 : i32
    %dma_start3A_80 = arith.constant 0 : i32
    %dma_start3A_81 = tpu.memref_slice %arg7[%dma_start3A_79, %dma_start3A_80] : memref<1000000x32xf32, #tpu.memory_space<hbm>> -> memref<1000000x32xf32, #tpu.memory_space<hbm>>
    tpu.enqueue_indirect_dma source(%dma_start3A_81 : memref<1000000x32xf32, #tpu.memory_space<hbm>>) target(%dma_start3A_75 : memref<128x32xf32, #tpu.memory_space<vmem>>) offsets(%dma_start3A_78 : memref<128xi32, #tpu.memory_space<vmem>>) semaphore(%arg18 : memref<!tpu.dma_semaphore, #tpu.memory_space<semaphore_mem>>)
    %dma_start3A_82 = arith.constant 2 : i32
    %dma_start3A_83 = arith.constant 256 : i32
    %dma_start3A_84 = arith.constant 0 : i32
    %dma_start3A_85 = tpu.memref_slice %arg13[%dma_start3A_83, %dma_start3A_84] : memref<512x16xf32, #tpu.memory_space<vmem>> -> memref<128x16xf32, #tpu.memory_space<vmem>>
    %dma_start3A_86 = arith.constant 0 : i32
    %dma_start3A_87 = tpu.memref_slice %arg11[%dma_start3A_82, %dma_start3A_86] : memref<4x128xi32, #tpu.memory_space<vmem>> -> memref<1x128xi32, #tpu.memory_space<vmem>>
    %dma_start3A_88 = tpu.memref_squeeze %dma_start3A_87 : memref<1x128xi32, #tpu.memory_space<vmem>> -> memref<128xi32, #tpu.memory_space<vmem>>
    %dma_start3A_89 = arith.constant 0 : i32
    %dma_start3A_90 = arith.constant 0 : i32
    %dma_start3A_91 = tpu.memref_slice %arg4[%dma_start3A_89, %dma_start3A_90] : memref<1000000x16xf32, #tpu.memory_space<hbm>> -> memref<1000000x16xf32, #tpu.memory_space<hbm>>
    tpu.enqueue_indirect_dma source(%dma_start3A_91 : memref<1000000x16xf32, #tpu.memory_space<hbm>>) target(%dma_start3A_85 : memref<128x16xf32, #tpu.memory_space<vmem>>) offsets(%dma_start3A_88 : memref<128xi32, #tpu.memory_space<vmem>>) semaphore(%arg17 : memref<!tpu.dma_semaphore, #tpu.memory_space<semaphore_mem>>)
    %dma_start3A_92 = arith.constant 2 : i32
    %dma_start3A_93 = arith.constant 256 : i32
    %dma_start3A_94 = arith.constant 0 : i32
    %dma_start3A_95 = tpu.memref_slice %arg14[%dma_start3A_93, %dma_start3A_94] : memref<512x16xf32, #tpu.memory_space<vmem>> -> memref<128x16xf32, #tpu.memory_space<vmem>>
    %dma_start3A_96 = arith.constant 0 : i32
    %dma_start3A_97 = tpu.memref_slice %arg12[%dma_start3A_92, %dma_start3A_96] : memref<4x128xi32, #tpu.memory_space<vmem>> -> memref<1x128xi32, #tpu.memory_space<vmem>>
    %dma_start3A_98 = tpu.memref_squeeze %dma_start3A_97 : memref<1x128xi32, #tpu.memory_space<vmem>> -> memref<128xi32, #tpu.memory_space<vmem>>
    %dma_start3A_99 = arith.constant 0 : i32
    %dma_start3A_100 = arith.constant 0 : i32
    %dma_start3A_101 = tpu.memref_slice %arg5[%dma_start3A_99, %dma_start3A_100] : memref<1000000x16xf32, #tpu.memory_space<hbm>> -> memref<1000000x16xf32, #tpu.memory_space<hbm>>
    tpu.enqueue_indirect_dma source(%dma_start3A_101 : memref<1000000x16xf32, #tpu.memory_space<hbm>>) target(%dma_start3A_95 : memref<128x16xf32, #tpu.memory_space<vmem>>) offsets(%dma_start3A_98 : memref<128xi32, #tpu.memory_space<vmem>>) semaphore(%arg17 : memref<!tpu.dma_semaphore, #tpu.memory_space<semaphore_mem>>)
    %dma_start3A_102 = arith.constant 2 : i32
    %dma_start3A_103 = arith.constant 256 : i32
    %dma_start3A_104 = arith.constant 0 : i32
    %dma_start3A_105 = tpu.memref_slice %arg15[%dma_start3A_103, %dma_start3A_104] : memref<512x32xf32, #tpu.memory_space<vmem>> -> memref<128x32xf32, #tpu.memory_space<vmem>>
    %dma_start3A_106 = arith.constant 0 : i32
    %dma_start3A_107 = tpu.memref_slice %arg11[%dma_start3A_102, %dma_start3A_106] : memref<4x128xi32, #tpu.memory_space<vmem>> -> memref<1x128xi32, #tpu.memory_space<vmem>>
    %dma_start3A_108 = tpu.memref_squeeze %dma_start3A_107 : memref<1x128xi32, #tpu.memory_space<vmem>> -> memref<128xi32, #tpu.memory_space<vmem>>
    %dma_start3A_109 = arith.constant 0 : i32
    %dma_start3A_110 = arith.constant 0 : i32
    %dma_start3A_111 = tpu.memref_slice %arg6[%dma_start3A_109, %dma_start3A_110] : memref<1000000x32xf32, #tpu.memory_space<hbm>> -> memref<1000000x32xf32, #tpu.memory_space<hbm>>
    tpu.enqueue_indirect_dma source(%dma_start3A_111 : memref<1000000x32xf32, #tpu.memory_space<hbm>>) target(%dma_start3A_105 : memref<128x32xf32, #tpu.memory_space<vmem>>) offsets(%dma_start3A_108 : memref<128xi32, #tpu.memory_space<vmem>>) semaphore(%arg18 : memref<!tpu.dma_semaphore, #tpu.memory_space<semaphore_mem>>)
    %dma_start3A_112 = arith.constant 2 : i32
    %dma_start3A_113 = arith.constant 256 : i32
    %dma_start3A_114 = arith.constant 0 : i32
    %dma_start3A_115 = tpu.memref_slice %arg16[%dma_start3A_113, %dma_start3A_114] : memref<512x32xf32, #tpu.memory_space<vmem>> -> memref<128x32xf32, #tpu.memory_space<vmem>>
    %dma_start3A_116 = arith.constant 0 : i32
    %dma_start3A_117 = tpu.memref_slice %arg12[%dma_start3A_112, %dma_start3A_116] : memref<4x128xi32, #tpu.memory_space<vmem>> -> memref<1x128xi32, #tpu.memory_space<vmem>>
    %dma_start3A_118 = tpu.memref_squeeze %dma_start3A_117 : memref<1x128xi32, #tpu.memory_space<vmem>> -> memref<128xi32, #tpu.memory_space<vmem>>
    %dma_start3A_119 = arith.constant 0 : i32
    %dma_start3A_120 = arith.constant 0 : i32
    %dma_start3A_121 = tpu.memref_slice %arg7[%dma_start3A_119, %dma_start3A_120] : memref<1000000x32xf32, #tpu.memory_space<hbm>> -> memref<1000000x32xf32, #tpu.memory_space<hbm>>
    tpu.enqueue_indirect_dma source(%dma_start3A_121 : memref<1000000x32xf32, #tpu.memory_space<hbm>>) target(%dma_start3A_115 : memref<128x32xf32, #tpu.memory_space<vmem>>) offsets(%dma_start3A_118 : memref<128xi32, #tpu.memory_space<vmem>>) semaphore(%arg18 : memref<!tpu.dma_semaphore, #tpu.memory_space<semaphore_mem>>)
    %dma_start3A_122 = arith.constant 3 : i32
    %dma_start3A_123 = arith.constant 384 : i32
    %dma_start3A_124 = arith.constant 0 : i32
    %dma_start3A_125 = tpu.memref_slice %arg13[%dma_start3A_123, %dma_start3A_124] : memref<512x16xf32, #tpu.memory_space<vmem>> -> memref<128x16xf32, #tpu.memory_space<vmem>>
    %dma_start3A_126 = arith.constant 0 : i32
    %dma_start3A_127 = tpu.memref_slice %arg11[%dma_start3A_122, %dma_start3A_126] : memref<4x128xi32, #tpu.memory_space<vmem>> -> memref<1x128xi32, #tpu.memory_space<vmem>>
    %dma_start3A_128 = tpu.memref_squeeze %dma_start3A_127 : memref<1x128xi32, #tpu.memory_space<vmem>> -> memref<128xi32, #tpu.memory_space<vmem>>
    %dma_start3A_129 = arith.constant 0 : i32
    %dma_start3A_130 = arith.constant 0 : i32
    %dma_start3A_131 = tpu.memref_slice %arg4[%dma_start3A_129, %dma_start3A_130] : memref<1000000x16xf32, #tpu.memory_space<hbm>> -> memref<1000000x16xf32, #tpu.memory_space<hbm>>
    tpu.enqueue_indirect_dma source(%dma_start3A_131 : memref<1000000x16xf32, #tpu.memory_space<hbm>>) target(%dma_start3A_125 : memref<128x16xf32, #tpu.memory_space<vmem>>) offsets(%dma_start3A_128 : memref<128xi32, #tpu.memory_space<vmem>>) semaphore(%arg17 : memref<!tpu.dma_semaphore, #tpu.memory_space<semaphore_mem>>)
    %dma_start3A_132 = arith.constant 3 : i32
    %dma_start3A_133 = arith.constant 384 : i32
    %dma_start3A_134 = arith.constant 0 : i32
    %dma_start3A_135 = tpu.memref_slice %arg14[%dma_start3A_133, %dma_start3A_134] : memref<512x16xf32, #tpu.memory_space<vmem>> -> memref<128x16xf32, #tpu.memory_space<vmem>>
    %dma_start3A_136 = arith.constant 0 : i32
    %dma_start3A_137 = tpu.memref_slice %arg12[%dma_start3A_132, %dma_start3A_136] : memref<4x128xi32, #tpu.memory_space<vmem>> -> memref<1x128xi32, #tpu.memory_space<vmem>>
    %dma_start3A_138 = tpu.memref_squeeze %dma_start3A_137 : memref<1x128xi32, #tpu.memory_space<vmem>> -> memref<128xi32, #tpu.memory_space<vmem>>
    %dma_start3A_139 = arith.constant 0 : i32
    %dma_start3A_140 = arith.constant 0 : i32
    %dma_start3A_141 = tpu.memref_slice %arg5[%dma_start3A_139, %dma_start3A_140] : memref<1000000x16xf32, #tpu.memory_space<hbm>> -> memref<1000000x16xf32, #tpu.memory_space<hbm>>
    tpu.enqueue_indirect_dma source(%dma_start3A_141 : memref<1000000x16xf32, #tpu.memory_space<hbm>>) target(%dma_start3A_135 : memref<128x16xf32, #tpu.memory_space<vmem>>) offsets(%dma_start3A_138 : memref<128xi32, #tpu.memory_space<vmem>>) semaphore(%arg17 : memref<!tpu.dma_semaphore, #tpu.memory_space<semaphore_mem>>)
    %dma_start3A_142 = arith.constant 3 : i32
    %dma_start3A_143 = arith.constant 384 : i32
    %dma_start3A_144 = arith.constant 0 : i32
    %dma_start3A_145 = tpu.memref_slice %arg15[%dma_start3A_143, %dma_start3A_144] : memref<512x32xf32, #tpu.memory_space<vmem>> -> memref<128x32xf32, #tpu.memory_space<vmem>>
    %dma_start3A_146 = arith.constant 0 : i32
    %dma_start3A_147 = tpu.memref_slice %arg11[%dma_start3A_142, %dma_start3A_146] : memref<4x128xi32, #tpu.memory_space<vmem>> -> memref<1x128xi32, #tpu.memory_space<vmem>>
    %dma_start3A_148 = tpu.memref_squeeze %dma_start3A_147 : memref<1x128xi32, #tpu.memory_space<vmem>> -> memref<128xi32, #tpu.memory_space<vmem>>
    %dma_start3A_149 = arith.constant 0 : i32
    %dma_start3A_150 = arith.constant 0 : i32
    %dma_start3A_151 = tpu.memref_slice %arg6[%dma_start3A_149, %dma_start3A_150] : memref<1000000x32xf32, #tpu.memory_space<hbm>> -> memref<1000000x32xf32, #tpu.memory_space<hbm>>
    tpu.enqueue_indirect_dma source(%dma_start3A_151 : memref<1000000x32xf32, #tpu.memory_space<hbm>>) target(%dma_start3A_145 : memref<128x32xf32, #tpu.memory_space<vmem>>) offsets(%dma_start3A_148 : memref<128xi32, #tpu.memory_space<vmem>>) semaphore(%arg18 : memref<!tpu.dma_semaphore, #tpu.memory_space<semaphore_mem>>)
    %dma_start3A_152 = arith.constant 3 : i32
    %dma_start3A_153 = arith.constant 384 : i32
    %dma_start3A_154 = arith.constant 0 : i32
    %dma_start3A_155 = tpu.memref_slice %arg16[%dma_start3A_153, %dma_start3A_154] : memref<512x32xf32, #tpu.memory_space<vmem>> -> memref<128x32xf32, #tpu.memory_space<vmem>>
    %dma_start3A_156 = arith.constant 0 : i32
    %dma_start3A_157 = tpu.memref_slice %arg12[%dma_start3A_152, %dma_start3A_156] : memref<4x128xi32, #tpu.memory_space<vmem>> -> memref<1x128xi32, #tpu.memory_space<vmem>>
    %dma_start3A_158 = tpu.memref_squeeze %dma_start3A_157 : memref<1x128xi32, #tpu.memory_space<vmem>> -> memref<128xi32, #tpu.memory_space<vmem>>
    %dma_start3A_159 = arith.constant 0 : i32
    %dma_start3A_160 = arith.constant 0 : i32
    %dma_start3A_161 = tpu.memref_slice %arg7[%dma_start3A_159, %dma_start3A_160] : memref<1000000x32xf32, #tpu.memory_space<hbm>> -> memref<1000000x32xf32, #tpu.memory_space<hbm>>
    tpu.enqueue_indirect_dma source(%dma_start3A_161 : memref<1000000x32xf32, #tpu.memory_space<hbm>>) target(%dma_start3A_155 : memref<128x32xf32, #tpu.memory_space<vmem>>) offsets(%dma_start3A_158 : memref<128xi32, #tpu.memory_space<vmem>>) semaphore(%arg18 : memref<!tpu.dma_semaphore, #tpu.memory_space<semaphore_mem>>)
    %dma_wait3A = arith.constant 0 : i32
    %dma_wait3A_162 = arith.constant 0 : i32
    %dma_wait3A_163 = arith.constant 0 : i32
    %dma_wait3A_164 = tpu.memref_slice %arg13[%dma_wait3A_162, %dma_wait3A_163] : memref<512x16xf32, #tpu.memory_space<vmem>> -> memref<128x16xf32, #tpu.memory_space<vmem>>
    %dma_wait3A_165 = arith.constant 0 : i32
    %dma_wait3A_166 = tpu.memref_slice %arg11[%dma_wait3A, %dma_wait3A_165] : memref<4x128xi32, #tpu.memory_space<vmem>> -> memref<1x128xi32, #tpu.memory_space<vmem>>
    %dma_wait3A_167 = tpu.memref_squeeze %dma_wait3A_166 : memref<1x128xi32, #tpu.memory_space<vmem>> -> memref<128xi32, #tpu.memory_space<vmem>>
    %dma_wait3A_168 = arith.constant 0 : i32
    %dma_wait3A_169 = arith.constant 0 : i32
    %dma_wait3A_170 = tpu.memref_slice %arg4[%dma_wait3A_168, %dma_wait3A_169] : memref<1000000x16xf32, #tpu.memory_space<hbm>> -> memref<1000000x16xf32, #tpu.memory_space<hbm>>
    tpu.wait_indirect_dma semaphore(%arg17 : memref<!tpu.dma_semaphore, #tpu.memory_space<semaphore_mem>>) src(%dma_wait3A_170 : memref<1000000x16xf32, #tpu.memory_space<hbm>>) dst(%dma_wait3A_164 : memref<128x16xf32, #tpu.memory_space<vmem>>)
    %dma_wait3A_171 = arith.constant 0 : i32
    %dma_wait3A_172 = arith.constant 0 : i32
    %dma_wait3A_173 = arith.constant 0 : i32
    %dma_wait3A_174 = tpu.memref_slice %arg14[%dma_wait3A_172, %dma_wait3A_173] : memref<512x16xf32, #tpu.memory_space<vmem>> -> memref<128x16xf32, #tpu.memory_space<vmem>>
    %dma_wait3A_175 = arith.constant 0 : i32
    %dma_wait3A_176 = tpu.memref_slice %arg12[%dma_wait3A_171, %dma_wait3A_175] : memref<4x128xi32, #tpu.memory_space<vmem>> -> memref<1x128xi32, #tpu.memory_space<vmem>>
    %dma_wait3A_177 = tpu.memref_squeeze %dma_wait3A_176 : memref<1x128xi32, #tpu.memory_space<vmem>> -> memref<128xi32, #tpu.memory_space<vmem>>
    %dma_wait3A_178 = arith.constant 0 : i32
    %dma_wait3A_179 = arith.constant 0 : i32
    %dma_wait3A_180 = tpu.memref_slice %arg5[%dma_wait3A_178, %dma_wait3A_179] : memref<1000000x16xf32, #tpu.memory_space<hbm>> -> memref<1000000x16xf32, #tpu.memory_space<hbm>>
    tpu.wait_indirect_dma semaphore(%arg17 : memref<!tpu.dma_semaphore, #tpu.memory_space<semaphore_mem>>) src(%dma_wait3A_180 : memref<1000000x16xf32, #tpu.memory_space<hbm>>) dst(%dma_wait3A_174 : memref<128x16xf32, #tpu.memory_space<vmem>>)
    %dma_wait3A_181 = arith.constant 1 : i32
    %dma_wait3A_182 = arith.constant 128 : i32
    %dma_wait3A_183 = arith.constant 0 : i32
    %dma_wait3A_184 = tpu.memref_slice %arg13[%dma_wait3A_182, %dma_wait3A_183] : memref<512x16xf32, #tpu.memory_space<vmem>> -> memref<128x16xf32, #tpu.memory_space<vmem>>
    %dma_wait3A_185 = arith.constant 0 : i32
    %dma_wait3A_186 = tpu.memref_slice %arg11[%dma_wait3A_181, %dma_wait3A_185] : memref<4x128xi32, #tpu.memory_space<vmem>> -> memref<1x128xi32, #tpu.memory_space<vmem>>
    %dma_wait3A_187 = tpu.memref_squeeze %dma_wait3A_186 : memref<1x128xi32, #tpu.memory_space<vmem>> -> memref<128xi32, #tpu.memory_space<vmem>>
    %dma_wait3A_188 = arith.constant 0 : i32
    %dma_wait3A_189 = arith.constant 0 : i32
    %dma_wait3A_190 = tpu.memref_slice %arg4[%dma_wait3A_188, %dma_wait3A_189] : memref<1000000x16xf32, #tpu.memory_space<hbm>> -> memref<1000000x16xf32, #tpu.memory_space<hbm>>
    tpu.wait_indirect_dma semaphore(%arg17 : memref<!tpu.dma_semaphore, #tpu.memory_space<semaphore_mem>>) src(%dma_wait3A_190 : memref<1000000x16xf32, #tpu.memory_space<hbm>>) dst(%dma_wait3A_184 : memref<128x16xf32, #tpu.memory_space<vmem>>)
    %dma_wait3A_191 = arith.constant 1 : i32
    %dma_wait3A_192 = arith.constant 128 : i32
    %dma_wait3A_193 = arith.constant 0 : i32
    %dma_wait3A_194 = tpu.memref_slice %arg14[%dma_wait3A_192, %dma_wait3A_193] : memref<512x16xf32, #tpu.memory_space<vmem>> -> memref<128x16xf32, #tpu.memory_space<vmem>>
    %dma_wait3A_195 = arith.constant 0 : i32
    %dma_wait3A_196 = tpu.memref_slice %arg12[%dma_wait3A_191, %dma_wait3A_195] : memref<4x128xi32, #tpu.memory_space<vmem>> -> memref<1x128xi32, #tpu.memory_space<vmem>>
    %dma_wait3A_197 = tpu.memref_squeeze %dma_wait3A_196 : memref<1x128xi32, #tpu.memory_space<vmem>> -> memref<128xi32, #tpu.memory_space<vmem>>
    %dma_wait3A_198 = arith.constant 0 : i32
    %dma_wait3A_199 = arith.constant 0 : i32
    %dma_wait3A_200 = tpu.memref_slice %arg5[%dma_wait3A_198, %dma_wait3A_199] : memref<1000000x16xf32, #tpu.memory_space<hbm>> -> memref<1000000x16xf32, #tpu.memory_space<hbm>>
    tpu.wait_indirect_dma semaphore(%arg17 : memref<!tpu.dma_semaphore, #tpu.memory_space<semaphore_mem>>) src(%dma_wait3A_200 : memref<1000000x16xf32, #tpu.memory_space<hbm>>) dst(%dma_wait3A_194 : memref<128x16xf32, #tpu.memory_space<vmem>>)
    %dma_wait3A_201 = arith.constant 2 : i32
    %dma_wait3A_202 = arith.constant 256 : i32
    %dma_wait3A_203 = arith.constant 0 : i32
    %dma_wait3A_204 = tpu.memref_slice %arg13[%dma_wait3A_202, %dma_wait3A_203] : memref<512x16xf32, #tpu.memory_space<vmem>> -> memref<128x16xf32, #tpu.memory_space<vmem>>
    %dma_wait3A_205 = arith.constant 0 : i32
    %dma_wait3A_206 = tpu.memref_slice %arg11[%dma_wait3A_201, %dma_wait3A_205] : memref<4x128xi32, #tpu.memory_space<vmem>> -> memref<1x128xi32, #tpu.memory_space<vmem>>
    %dma_wait3A_207 = tpu.memref_squeeze %dma_wait3A_206 : memref<1x128xi32, #tpu.memory_space<vmem>> -> memref<128xi32, #tpu.memory_space<vmem>>
    %dma_wait3A_208 = arith.constant 0 : i32
    %dma_wait3A_209 = arith.constant 0 : i32
    %dma_wait3A_210 = tpu.memref_slice %arg4[%dma_wait3A_208, %dma_wait3A_209] : memref<1000000x16xf32, #tpu.memory_space<hbm>> -> memref<1000000x16xf32, #tpu.memory_space<hbm>>
    tpu.wait_indirect_dma semaphore(%arg17 : memref<!tpu.dma_semaphore, #tpu.memory_space<semaphore_mem>>) src(%dma_wait3A_210 : memref<1000000x16xf32, #tpu.memory_space<hbm>>) dst(%dma_wait3A_204 : memref<128x16xf32, #tpu.memory_space<vmem>>)
    %dma_wait3A_211 = arith.constant 2 : i32
    %dma_wait3A_212 = arith.constant 256 : i32
    %dma_wait3A_213 = arith.constant 0 : i32
    %dma_wait3A_214 = tpu.memref_slice %arg14[%dma_wait3A_212, %dma_wait3A_213] : memref<512x16xf32, #tpu.memory_space<vmem>> -> memref<128x16xf32, #tpu.memory_space<vmem>>
    %dma_wait3A_215 = arith.constant 0 : i32
    %dma_wait3A_216 = tpu.memref_slice %arg12[%dma_wait3A_211, %dma_wait3A_215] : memref<4x128xi32, #tpu.memory_space<vmem>> -> memref<1x128xi32, #tpu.memory_space<vmem>>
    %dma_wait3A_217 = tpu.memref_squeeze %dma_wait3A_216 : memref<1x128xi32, #tpu.memory_space<vmem>> -> memref<128xi32, #tpu.memory_space<vmem>>
    %dma_wait3A_218 = arith.constant 0 : i32
    %dma_wait3A_219 = arith.constant 0 : i32
    %dma_wait3A_220 = tpu.memref_slice %arg5[%dma_wait3A_218, %dma_wait3A_219] : memref<1000000x16xf32, #tpu.memory_space<hbm>> -> memref<1000000x16xf32, #tpu.memory_space<hbm>>
    tpu.wait_indirect_dma semaphore(%arg17 : memref<!tpu.dma_semaphore, #tpu.memory_space<semaphore_mem>>) src(%dma_wait3A_220 : memref<1000000x16xf32, #tpu.memory_space<hbm>>) dst(%dma_wait3A_214 : memref<128x16xf32, #tpu.memory_space<vmem>>)
    %dma_wait3A_221 = arith.constant 3 : i32
    %dma_wait3A_222 = arith.constant 384 : i32
    %dma_wait3A_223 = arith.constant 0 : i32
    %dma_wait3A_224 = tpu.memref_slice %arg13[%dma_wait3A_222, %dma_wait3A_223] : memref<512x16xf32, #tpu.memory_space<vmem>> -> memref<128x16xf32, #tpu.memory_space<vmem>>
    %dma_wait3A_225 = arith.constant 0 : i32
    %dma_wait3A_226 = tpu.memref_slice %arg11[%dma_wait3A_221, %dma_wait3A_225] : memref<4x128xi32, #tpu.memory_space<vmem>> -> memref<1x128xi32, #tpu.memory_space<vmem>>
    %dma_wait3A_227 = tpu.memref_squeeze %dma_wait3A_226 : memref<1x128xi32, #tpu.memory_space<vmem>> -> memref<128xi32, #tpu.memory_space<vmem>>
    %dma_wait3A_228 = arith.constant 0 : i32
    %dma_wait3A_229 = arith.constant 0 : i32
    %dma_wait3A_230 = tpu.memref_slice %arg4[%dma_wait3A_228, %dma_wait3A_229] : memref<1000000x16xf32, #tpu.memory_space<hbm>> -> memref<1000000x16xf32, #tpu.memory_space<hbm>>
    tpu.wait_indirect_dma semaphore(%arg17 : memref<!tpu.dma_semaphore, #tpu.memory_space<semaphore_mem>>) src(%dma_wait3A_230 : memref<1000000x16xf32, #tpu.memory_space<hbm>>) dst(%dma_wait3A_224 : memref<128x16xf32, #tpu.memory_space<vmem>>)
    %dma_wait3A_231 = arith.constant 3 : i32
    %dma_wait3A_232 = arith.constant 384 : i32
    %dma_wait3A_233 = arith.constant 0 : i32
    %dma_wait3A_234 = tpu.memref_slice %arg14[%dma_wait3A_232, %dma_wait3A_233] : memref<512x16xf32, #tpu.memory_space<vmem>> -> memref<128x16xf32, #tpu.memory_space<vmem>>
    %dma_wait3A_235 = arith.constant 0 : i32
    %dma_wait3A_236 = tpu.memref_slice %arg12[%dma_wait3A_231, %dma_wait3A_235] : memref<4x128xi32, #tpu.memory_space<vmem>> -> memref<1x128xi32, #tpu.memory_space<vmem>>
    %dma_wait3A_237 = tpu.memref_squeeze %dma_wait3A_236 : memref<1x128xi32, #tpu.memory_space<vmem>> -> memref<128xi32, #tpu.memory_space<vmem>>
    %dma_wait3A_238 = arith.constant 0 : i32
    %dma_wait3A_239 = arith.constant 0 : i32
    %dma_wait3A_240 = tpu.memref_slice %arg5[%dma_wait3A_238, %dma_wait3A_239] : memref<1000000x16xf32, #tpu.memory_space<hbm>> -> memref<1000000x16xf32, #tpu.memory_space<hbm>>
    tpu.wait_indirect_dma semaphore(%arg17 : memref<!tpu.dma_semaphore, #tpu.memory_space<semaphore_mem>>) src(%dma_wait3A_240 : memref<1000000x16xf32, #tpu.memory_space<hbm>>) dst(%dma_wait3A_234 : memref<128x16xf32, #tpu.memory_space<vmem>>)
    %scan3A = arith.constant 0 : i32
    %scan3A_241 = arith.constant 0 : i32
    %scan3A_242 = arith.constant 512 : i32
    %scan3A_243 = arith.addi %scan3A_241, %scan3A_242 : i32
    %scan3A_244 = arith.constant 8 : i32
    %scan3A_245 = scf.for %scan3A_327 = %scan3A_241 to %scan3A_243 step %scan3A_244 iter_args(%scan3A_328 = %scan3A) -> (i32)  : i32 {
      %get3A = arith.index_cast %scan3A_327 : i32 to index
      %get3A_329 = arith.constant 0 : index
      %get3A_330 = tpu.vector_load %arg13[%get3A, %get3A_329] {strides = array<i32>} : memref<512x16xf32, #tpu.memory_space<vmem>>, vector<1x16xf32>,
      %get3A_331 = vector.shape_cast %get3A_330 : vector<1x16xf32> to vector<16xf32>
      %get3A_332 = arith.index_cast %scan3A_327 : i32 to index
      %get3A_333 = arith.constant 0 : index
      %get3A_334 = tpu.vector_load %arg14[%get3A_332, %get3A_333] {strides = array<i32>} : memref<512x16xf32, #tpu.memory_space<vmem>>, vector<1x16xf32>,
      %get3A_335 = vector.shape_cast %get3A_334 : vector<1x16xf32> to vector<16xf32>
      %mul3A_336 = arith.mulf %get3A_331, %get3A_335 : vector<16xf32>
      %swap3A = arith.index_cast %scan3A_327 : i32 to index
      %swap3A_337 = arith.constant 0 : index
      %swap3A_338 = tpu.vector_load %arg13[%swap3A, %swap3A_337] {strides = array<i32>} : memref<512x16xf32, #tpu.memory_space<vmem>>, vector<1x16xf32>,
      %swap3A_339 = vector.shape_cast %swap3A_338 : vector<1x16xf32> to vector<16xf32>
      %swap3A_340 = vector.shape_cast %mul3A_336 : vector<16xf32> to vector<1x16xf32>
      tpu.vector_store %arg13[%swap3A, %swap3A_337], %swap3A_340 {strides = array<i32>} : memref<512x16xf32, #tpu.memory_space<vmem>>, vector<1x16xf32>,
      %scan3A_341 = arith.constant 0 : i32
      %scan3A_342 = arith.constant 1 : i32
      %scan3A_343 = arith.addi %scan3A_327, %scan3A_342 : i32
      %get3A_344 = arith.index_cast %scan3A_343 : i32 to index
      %get3A_345 = arith.constant 0 : index
      %get3A_346 = tpu.vector_load %arg13[%get3A_344, %get3A_345] {strides = array<i32>} : memref<512x16xf32, #tpu.memory_space<vmem>>, vector<1x16xf32>,
      %get3A_347 = vector.shape_cast %get3A_346 : vector<1x16xf32> to vector<16xf32>
      %get3A_348 = arith.index_cast %scan3A_343 : i32 to index
      %get3A_349 = arith.constant 0 : index
      %get3A_350 = tpu.vector_load %arg14[%get3A_348, %get3A_349] {strides = array<i32>} : memref<512x16xf32, #tpu.memory_space<vmem>>, vector<1x16xf32>,
      %get3A_351 = vector.shape_cast %get3A_350 : vector<1x16xf32> to vector<16xf32>
      %mul3A_352 = arith.mulf %get3A_347, %get3A_351 : vector<16xf32>
      %swap3A_353 = arith.index_cast %scan3A_343 : i32 to index
      %swap3A_354 = arith.constant 0 : index
      %swap3A_355 = tpu.vector_load %arg13[%swap3A_353, %swap3A_354] {strides = array<i32>} : memref<512x16xf32, #tpu.memory_space<vmem>>, vector<1x16xf32>,
      %swap3A_356 = vector.shape_cast %swap3A_355 : vector<1x16xf32> to vector<16xf32>
      %swap3A_357 = vector.shape_cast %mul3A_352 : vector<16xf32> to vector<1x16xf32>
      tpu.vector_store %arg13[%swap3A_353, %swap3A_354], %swap3A_357 {strides = array<i32>} : memref<512x16xf32, #tpu.memory_space<vmem>>, vector<1x16xf32>,
      %scan3A_358 = arith.constant 0 : i32
      %scan3A_359 = arith.constant 2 : i32
      %scan3A_360 = arith.addi %scan3A_327, %scan3A_359 : i32
      %get3A_361 = arith.index_cast %scan3A_360 : i32 to index
      %get3A_362 = arith.constant 0 : index
      %get3A_363 = tpu.vector_load %arg13[%get3A_361, %get3A_362] {strides = array<i32>} : memref<512x16xf32, #tpu.memory_space<vmem>>, vector<1x16xf32>,
      %get3A_364 = vector.shape_cast %get3A_363 : vector<1x16xf32> to vector<16xf32>
      %get3A_365 = arith.index_cast %scan3A_360 : i32 to index
      %get3A_366 = arith.constant 0 : index
      %get3A_367 = tpu.vector_load %arg14[%get3A_365, %get3A_366] {strides = array<i32>} : memref<512x16xf32, #tpu.memory_space<vmem>>, vector<1x16xf32>,
      %get3A_368 = vector.shape_cast %get3A_367 : vector<1x16xf32> to vector<16xf32>
      %mul3A_369 = arith.mulf %get3A_364, %get3A_368 : vector<16xf32>
      %swap3A_370 = arith.index_cast %scan3A_360 : i32 to index
      %swap3A_371 = arith.constant 0 : index
      %swap3A_372 = tpu.vector_load %arg13[%swap3A_370, %swap3A_371] {strides = array<i32>} : memref<512x16xf32, #tpu.memory_space<vmem>>, vector<1x16xf32>,
      %swap3A_373 = vector.shape_cast %swap3A_372 : vector<1x16xf32> to vector<16xf32>
      %swap3A_374 = vector.shape_cast %mul3A_369 : vector<16xf32> to vector<1x16xf32>
      tpu.vector_store %arg13[%swap3A_370, %swap3A_371], %swap3A_374 {strides = array<i32>} : memref<512x16xf32, #tpu.memory_space<vmem>>, vector<1x16xf32>,
      %scan3A_375 = arith.constant 0 : i32
      %scan3A_376 = arith.constant 3 : i32
      %scan3A_377 = arith.addi %scan3A_327, %scan3A_376 : i32
      %get3A_378 = arith.index_cast %scan3A_377 : i32 to index
      %get3A_379 = arith.constant 0 : index
      %get3A_380 = tpu.vector_load %arg13[%get3A_378, %get3A_379] {strides = array<i32>} : memref<512x16xf32, #tpu.memory_space<vmem>>, vector<1x16xf32>,
      %get3A_381 = vector.shape_cast %get3A_380 : vector<1x16xf32> to vector<16xf32>
      %get3A_382 = arith.index_cast %scan3A_377 : i32 to index
      %get3A_383 = arith.constant 0 : index
      %get3A_384 = tpu.vector_load %arg14[%get3A_382, %get3A_383] {strides = array<i32>} : memref<512x16xf32, #tpu.memory_space<vmem>>, vector<1x16xf32>,
      %get3A_385 = vector.shape_cast %get3A_384 : vector<1x16xf32> to vector<16xf32>
      %mul3A_386 = arith.mulf %get3A_381, %get3A_385 : vector<16xf32>
      %swap3A_387 = arith.index_cast %scan3A_377 : i32 to index
      %swap3A_388 = arith.constant 0 : index
      %swap3A_389 = tpu.vector_load %arg13[%swap3A_387, %swap3A_388] {strides = array<i32>} : memref<512x16xf32, #tpu.memory_space<vmem>>, vector<1x16xf32>,
      %swap3A_390 = vector.shape_cast %swap3A_389 : vector<1x16xf32> to vector<16xf32>
      %swap3A_391 = vector.shape_cast %mul3A_386 : vector<16xf32> to vector<1x16xf32>
      tpu.vector_store %arg13[%swap3A_387, %swap3A_388], %swap3A_391 {strides = array<i32>} : memref<512x16xf32, #tpu.memory_space<vmem>>, vector<1x16xf32>,
      %scan3A_392 = arith.constant 0 : i32
      %scan3A_393 = arith.constant 4 : i32
      %scan3A_394 = arith.addi %scan3A_327, %scan3A_393 : i32
      %get3A_395 = arith.index_cast %scan3A_394 : i32 to index
      %get3A_396 = arith.constant 0 : index
      %get3A_397 = tpu.vector_load %arg13[%get3A_395, %get3A_396] {strides = array<i32>} : memref<512x16xf32, #tpu.memory_space<vmem>>, vector<1x16xf32>,
      %get3A_398 = vector.shape_cast %get3A_397 : vector<1x16xf32> to vector<16xf32>
      %get3A_399 = arith.index_cast %scan3A_394 : i32 to index
      %get3A_400 = arith.constant 0 : index
      %get3A_401 = tpu.vector_load %arg14[%get3A_399, %get3A_400] {strides = array<i32>} : memref<512x16xf32, #tpu.memory_space<vmem>>, vector<1x16xf32>,
      %get3A_402 = vector.shape_cast %get3A_401 : vector<1x16xf32> to vector<16xf32>
      %mul3A_403 = arith.mulf %get3A_398, %get3A_402 : vector<16xf32>
      %swap3A_404 = arith.index_cast %scan3A_394 : i32 to index
      %swap3A_405 = arith.constant 0 : index
      %swap3A_406 = tpu.vector_load %arg13[%swap3A_404, %swap3A_405] {strides = array<i32>} : memref<512x16xf32, #tpu.memory_space<vmem>>, vector<1x16xf32>,
      %swap3A_407 = vector.shape_cast %swap3A_406 : vector<1x16xf32> to vector<16xf32>
      %swap3A_408 = vector.shape_cast %mul3A_403 : vector<16xf32> to vector<1x16xf32>
      tpu.vector_store %arg13[%swap3A_404, %swap3A_405], %swap3A_408 {strides = array<i32>} : memref<512x16xf32, #tpu.memory_space<vmem>>, vector<1x16xf32>,
      %scan3A_409 = arith.constant 0 : i32
      %scan3A_410 = arith.constant 5 : i32
      %scan3A_411 = arith.addi %scan3A_327, %scan3A_410 : i32
      %get3A_412 = arith.index_cast %scan3A_411 : i32 to index
      %get3A_413 = arith.constant 0 : index
      %get3A_414 = tpu.vector_load %arg13[%get3A_412, %get3A_413] {strides = array<i32>} : memref<512x16xf32, #tpu.memory_space<vmem>>, vector<1x16xf32>,
      %get3A_415 = vector.shape_cast %get3A_414 : vector<1x16xf32> to vector<16xf32>
      %get3A_416 = arith.index_cast %scan3A_411 : i32 to index
      %get3A_417 = arith.constant 0 : index
      %get3A_418 = tpu.vector_load %arg14[%get3A_416, %get3A_417] {strides = array<i32>} : memref<512x16xf32, #tpu.memory_space<vmem>>, vector<1x16xf32>,
      %get3A_419 = vector.shape_cast %get3A_418 : vector<1x16xf32> to vector<16xf32>
      %mul3A_420 = arith.mulf %get3A_415, %get3A_419 : vector<16xf32>
      %swap3A_421 = arith.index_cast %scan3A_411 : i32 to index
      %swap3A_422 = arith.constant 0 : index
      %swap3A_423 = tpu.vector_load %arg13[%swap3A_421, %swap3A_422] {strides = array<i32>} : memref<512x16xf32, #tpu.memory_space<vmem>>, vector<1x16xf32>,
      %swap3A_424 = vector.shape_cast %swap3A_423 : vector<1x16xf32> to vector<16xf32>
      %swap3A_425 = vector.shape_cast %mul3A_420 : vector<16xf32> to vector<1x16xf32>
      tpu.vector_store %arg13[%swap3A_421, %swap3A_422], %swap3A_425 {strides = array<i32>} : memref<512x16xf32, #tpu.memory_space<vmem>>, vector<1x16xf32>,
      %scan3A_426 = arith.constant 0 : i32
      %scan3A_427 = arith.constant 6 : i32
      %scan3A_428 = arith.addi %scan3A_327, %scan3A_427 : i32
      %get3A_429 = arith.index_cast %scan3A_428 : i32 to index
      %get3A_430 = arith.constant 0 : index
      %get3A_431 = tpu.vector_load %arg13[%get3A_429, %get3A_430] {strides = array<i32>} : memref<512x16xf32, #tpu.memory_space<vmem>>, vector<1x16xf32>,
      %get3A_432 = vector.shape_cast %get3A_431 : vector<1x16xf32> to vector<16xf32>
      %get3A_433 = arith.index_cast %scan3A_428 : i32 to index
      %get3A_434 = arith.constant 0 : index
      %get3A_435 = tpu.vector_load %arg14[%get3A_433, %get3A_434] {strides = array<i32>} : memref<512x16xf32, #tpu.memory_space<vmem>>, vector<1x16xf32>,
      %get3A_436 = vector.shape_cast %get3A_435 : vector<1x16xf32> to vector<16xf32>
      %mul3A_437 = arith.mulf %get3A_432, %get3A_436 : vector<16xf32>
      %swap3A_438 = arith.index_cast %scan3A_428 : i32 to index
      %swap3A_439 = arith.constant 0 : index
      %swap3A_440 = tpu.vector_load %arg13[%swap3A_438, %swap3A_439] {strides = array<i32>} : memref<512x16xf32, #tpu.memory_space<vmem>>, vector<1x16xf32>,
      %swap3A_441 = vector.shape_cast %swap3A_440 : vector<1x16xf32> to vector<16xf32>
      %swap3A_442 = vector.shape_cast %mul3A_437 : vector<16xf32> to vector<1x16xf32>
      tpu.vector_store %arg13[%swap3A_438, %swap3A_439], %swap3A_442 {strides = array<i32>} : memref<512x16xf32, #tpu.memory_space<vmem>>, vector<1x16xf32>,
      %scan3A_443 = arith.constant 0 : i32
      %scan3A_444 = arith.constant 7 : i32
      %scan3A_445 = arith.addi %scan3A_327, %scan3A_444 : i32
      %get3A_446 = arith.index_cast %scan3A_445 : i32 to index
      %get3A_447 = arith.constant 0 : index
      %get3A_448 = tpu.vector_load %arg13[%get3A_446, %get3A_447] {strides = array<i32>} : memref<512x16xf32, #tpu.memory_space<vmem>>, vector<1x16xf32>,
      %get3A_449 = vector.shape_cast %get3A_448 : vector<1x16xf32> to vector<16xf32>
      %get3A_450 = arith.index_cast %scan3A_445 : i32 to index
      %get3A_451 = arith.constant 0 : index
      %get3A_452 = tpu.vector_load %arg14[%get3A_450, %get3A_451] {strides = array<i32>} : memref<512x16xf32, #tpu.memory_space<vmem>>, vector<1x16xf32>,
      %get3A_453 = vector.shape_cast %get3A_452 : vector<1x16xf32> to vector<16xf32>
      %mul3A_454 = arith.mulf %get3A_449, %get3A_453 : vector<16xf32>
      %swap3A_455 = arith.index_cast %scan3A_445 : i32 to index
      %swap3A_456 = arith.constant 0 : index
      %swap3A_457 = tpu.vector_load %arg13[%swap3A_455, %swap3A_456] {strides = array<i32>} : memref<512x16xf32, #tpu.memory_space<vmem>>, vector<1x16xf32>,
      %swap3A_458 = vector.shape_cast %swap3A_457 : vector<1x16xf32> to vector<16xf32>
      %swap3A_459 = vector.shape_cast %mul3A_454 : vector<16xf32> to vector<1x16xf32>
      tpu.vector_store %arg13[%swap3A_455, %swap3A_456], %swap3A_459 {strides = array<i32>} : memref<512x16xf32, #tpu.memory_space<vmem>>, vector<1x16xf32>,
      %scan3A_460 = arith.constant 0 : i32
      scf.yield %scan3A_460 : i32
    }
    %scan3A_246 = arith.constant 512 : i32
    "tpu.region"() ({
      %run_scoped3A = tpu.sem_alloc : memref<!tpu.dma_semaphore, #tpu.memory_space<semaphore_mem>>
      %dma_start3A_327 = arith.constant 0 : i32
      %dma_start3A_328 = tpu.memref_slice %arg8[%mul3A_2, %dma_start3A_327] : memref<16384x16xf32, #tpu.memory_space<hbm>> -> memref<512x16xf32, #tpu.memory_space<hbm>>
      %dma_start3A_329 = arith.constant 0 : i32
      %dma_start3A_330 = tpu.memref_slice %arg8[%mul3A_2, %dma_start3A_329] : memref<16384x16xf32, #tpu.memory_space<hbm>> -> memref<512x16xf32, #tpu.memory_space<hbm>>
      tpu.enqueue_dma source(%arg13 : memref<512x16xf32, #tpu.memory_space<vmem>>) target(%dma_start3A_330 : memref<512x16xf32, #tpu.memory_space<hbm>>) target_semaphore(%run_scoped3A : memref<!tpu.dma_semaphore, #tpu.memory_space<semaphore_mem>>)
      %dma_wait3A_331 = arith.constant 0 : i32
      %dma_wait3A_332 = tpu.memref_slice %arg8[%mul3A_2, %dma_wait3A_331] : memref<16384x16xf32, #tpu.memory_space<hbm>> -> memref<512x16xf32, #tpu.memory_space<hbm>>
      %dma_wait3A_333 = arith.constant 0 : i32
      %dma_wait3A_334 = tpu.memref_slice %arg8[%mul3A_2, %dma_wait3A_333] : memref<16384x16xf32, #tpu.memory_space<hbm>> -> memref<512x16xf32, #tpu.memory_space<hbm>>
      tpu.wait_dma2 semaphore(%run_scoped3A : memref<!tpu.dma_semaphore, #tpu.memory_space<semaphore_mem>>) src(%arg13 : memref<512x16xf32, #tpu.memory_space<vmem>>) dst(%dma_wait3A_334 : memref<512x16xf32, #tpu.memory_space<hbm>>)
      tpu.yield
    }) : () -> ()
    %dma_wait3A_247 = arith.constant 0 : i32
    %dma_wait3A_248 = arith.constant 0 : i32
    %dma_wait3A_249 = arith.constant 0 : i32
    %dma_wait3A_250 = tpu.memref_slice %arg15[%dma_wait3A_248, %dma_wait3A_249] : memref<512x32xf32, #tpu.memory_space<vmem>> -> memref<128x32xf32, #tpu.memory_space<vmem>>
    %dma_wait3A_251 = arith.constant 0 : i32
    %dma_wait3A_252 = tpu.memref_slice %arg11[%dma_wait3A_247, %dma_wait3A_251] : memref<4x128xi32, #tpu.memory_space<vmem>> -> memref<1x128xi32, #tpu.memory_space<vmem>>
    %dma_wait3A_253 = tpu.memref_squeeze %dma_wait3A_252 : memref<1x128xi32, #tpu.memory_space<vmem>> -> memref<128xi32, #tpu.memory_space<vmem>>
    %dma_wait3A_254 = arith.constant 0 : i32
    %dma_wait3A_255 = arith.constant 0 : i32
    %dma_wait3A_256 = tpu.memref_slice %arg6[%dma_wait3A_254, %dma_wait3A_255] : memref<1000000x32xf32, #tpu.memory_space<hbm>> -> memref<1000000x32xf32, #tpu.memory_space<hbm>>
    tpu.wait_indirect_dma semaphore(%arg18 : memref<!tpu.dma_semaphore, #tpu.memory_space<semaphore_mem>>) src(%dma_wait3A_256 : memref<1000000x32xf32, #tpu.memory_space<hbm>>) dst(%dma_wait3A_250 : memref<128x32xf32, #tpu.memory_space<vmem>>)
    %dma_wait3A_257 = arith.constant 0 : i32
    %dma_wait3A_258 = arith.constant 0 : i32
    %dma_wait3A_259 = arith.constant 0 : i32
    %dma_wait3A_260 = tpu.memref_slice %arg16[%dma_wait3A_258, %dma_wait3A_259] : memref<512x32xf32, #tpu.memory_space<vmem>> -> memref<128x32xf32, #tpu.memory_space<vmem>>
    %dma_wait3A_261 = arith.constant 0 : i32
    %dma_wait3A_262 = tpu.memref_slice %arg12[%dma_wait3A_257, %dma_wait3A_261] : memref<4x128xi32, #tpu.memory_space<vmem>> -> memref<1x128xi32, #tpu.memory_space<vmem>>
    %dma_wait3A_263 = tpu.memref_squeeze %dma_wait3A_262 : memref<1x128xi32, #tpu.memory_space<vmem>> -> memref<128xi32, #tpu.memory_space<vmem>>
    %dma_wait3A_264 = arith.constant 0 : i32
    %dma_wait3A_265 = arith.constant 0 : i32
    %dma_wait3A_266 = tpu.memref_slice %arg7[%dma_wait3A_264, %dma_wait3A_265] : memref<1000000x32xf32, #tpu.memory_space<hbm>> -> memref<1000000x32xf32, #tpu.memory_space<hbm>>
    tpu.wait_indirect_dma semaphore(%arg18 : memref<!tpu.dma_semaphore, #tpu.memory_space<semaphore_mem>>) src(%dma_wait3A_266 : memref<1000000x32xf32, #tpu.memory_space<hbm>>) dst(%dma_wait3A_260 : memref<128x32xf32, #tpu.memory_space<vmem>>)
    %dma_wait3A_267 = arith.constant 1 : i32
    %dma_wait3A_268 = arith.constant 128 : i32
    %dma_wait3A_269 = arith.constant 0 : i32
    %dma_wait3A_270 = tpu.memref_slice %arg15[%dma_wait3A_268, %dma_wait3A_269] : memref<512x32xf32, #tpu.memory_space<vmem>> -> memref<128x32xf32, #tpu.memory_space<vmem>>
    %dma_wait3A_271 = arith.constant 0 : i32
    %dma_wait3A_272 = tpu.memref_slice %arg11[%dma_wait3A_267, %dma_wait3A_271] : memref<4x128xi32, #tpu.memory_space<vmem>> -> memref<1x128xi32, #tpu.memory_space<vmem>>
    %dma_wait3A_273 = tpu.memref_squeeze %dma_wait3A_272 : memref<1x128xi32, #tpu.memory_space<vmem>> -> memref<128xi32, #tpu.memory_space<vmem>>
    %dma_wait3A_274 = arith.constant 0 : i32
    %dma_wait3A_275 = arith.constant 0 : i32
    %dma_wait3A_276 = tpu.memref_slice %arg6[%dma_wait3A_274, %dma_wait3A_275] : memref<1000000x32xf32, #tpu.memory_space<hbm>> -> memref<1000000x32xf32, #tpu.memory_space<hbm>>
    tpu.wait_indirect_dma semaphore(%arg18 : memref<!tpu.dma_semaphore, #tpu.memory_space<semaphore_mem>>) src(%dma_wait3A_276 : memref<1000000x32xf32, #tpu.memory_space<hbm>>) dst(%dma_wait3A_270 : memref<128x32xf32, #tpu.memory_space<vmem>>)
    %dma_wait3A_277 = arith.constant 1 : i32
    %dma_wait3A_278 = arith.constant 128 : i32
    %dma_wait3A_279 = arith.constant 0 : i32
    %dma_wait3A_280 = tpu.memref_slice %arg16[%dma_wait3A_278, %dma_wait3A_279] : memref<512x32xf32, #tpu.memory_space<vmem>> -> memref<128x32xf32, #tpu.memory_space<vmem>>
    %dma_wait3A_281 = arith.constant 0 : i32
    %dma_wait3A_282 = tpu.memref_slice %arg12[%dma_wait3A_277, %dma_wait3A_281] : memref<4x128xi32, #tpu.memory_space<vmem>> -> memref<1x128xi32, #tpu.memory_space<vmem>>
    %dma_wait3A_283 = tpu.memref_squeeze %dma_wait3A_282 : memref<1x128xi32, #tpu.memory_space<vmem>> -> memref<128xi32, #tpu.memory_space<vmem>>
    %dma_wait3A_284 = arith.constant 0 : i32
    %dma_wait3A_285 = arith.constant 0 : i32
    %dma_wait3A_286 = tpu.memref_slice %arg7[%dma_wait3A_284, %dma_wait3A_285] : memref<1000000x32xf32, #tpu.memory_space<hbm>> -> memref<1000000x32xf32, #tpu.memory_space<hbm>>
    tpu.wait_indirect_dma semaphore(%arg18 : memref<!tpu.dma_semaphore, #tpu.memory_space<semaphore_mem>>) src(%dma_wait3A_286 : memref<1000000x32xf32, #tpu.memory_space<hbm>>) dst(%dma_wait3A_280 : memref<128x32xf32, #tpu.memory_space<vmem>>)
    %dma_wait3A_287 = arith.constant 2 : i32
    %dma_wait3A_288 = arith.constant 256 : i32
    %dma_wait3A_289 = arith.constant 0 : i32
    %dma_wait3A_290 = tpu.memref_slice %arg15[%dma_wait3A_288, %dma_wait3A_289] : memref<512x32xf32, #tpu.memory_space<vmem>> -> memref<128x32xf32, #tpu.memory_space<vmem>>
    %dma_wait3A_291 = arith.constant 0 : i32
    %dma_wait3A_292 = tpu.memref_slice %arg11[%dma_wait3A_287, %dma_wait3A_291] : memref<4x128xi32, #tpu.memory_space<vmem>> -> memref<1x128xi32, #tpu.memory_space<vmem>>
    %dma_wait3A_293 = tpu.memref_squeeze %dma_wait3A_292 : memref<1x128xi32, #tpu.memory_space<vmem>> -> memref<128xi32, #tpu.memory_space<vmem>>
    %dma_wait3A_294 = arith.constant 0 : i32
    %dma_wait3A_295 = arith.constant 0 : i32
    %dma_wait3A_296 = tpu.memref_slice %arg6[%dma_wait3A_294, %dma_wait3A_295] : memref<1000000x32xf32, #tpu.memory_space<hbm>> -> memref<1000000x32xf32, #tpu.memory_space<hbm>>
    tpu.wait_indirect_dma semaphore(%arg18 : memref<!tpu.dma_semaphore, #tpu.memory_space<semaphore_mem>>) src(%dma_wait3A_296 : memref<1000000x32xf32, #tpu.memory_space<hbm>>) dst(%dma_wait3A_290 : memref<128x32xf32, #tpu.memory_space<vmem>>)
    %dma_wait3A_297 = arith.constant 2 : i32
    %dma_wait3A_298 = arith.constant 256 : i32
    %dma_wait3A_299 = arith.constant 0 : i32
    %dma_wait3A_300 = tpu.memref_slice %arg16[%dma_wait3A_298, %dma_wait3A_299] : memref<512x32xf32, #tpu.memory_space<vmem>> -> memref<128x32xf32, #tpu.memory_space<vmem>>
    %dma_wait3A_301 = arith.constant 0 : i32
    %dma_wait3A_302 = tpu.memref_slice %arg12[%dma_wait3A_297, %dma_wait3A_301] : memref<4x128xi32, #tpu.memory_space<vmem>> -> memref<1x128xi32, #tpu.memory_space<vmem>>
    %dma_wait3A_303 = tpu.memref_squeeze %dma_wait3A_302 : memref<1x128xi32, #tpu.memory_space<vmem>> -> memref<128xi32, #tpu.memory_space<vmem>>
    %dma_wait3A_304 = arith.constant 0 : i32
    %dma_wait3A_305 = arith.constant 0 : i32
    %dma_wait3A_306 = tpu.memref_slice %arg7[%dma_wait3A_304, %dma_wait3A_305] : memref<1000000x32xf32, #tpu.memory_space<hbm>> -> memref<1000000x32xf32, #tpu.memory_space<hbm>>
    tpu.wait_indirect_dma semaphore(%arg18 : memref<!tpu.dma_semaphore, #tpu.memory_space<semaphore_mem>>) src(%dma_wait3A_306 : memref<1000000x32xf32, #tpu.memory_space<hbm>>) dst(%dma_wait3A_300 : memref<128x32xf32, #tpu.memory_space<vmem>>)
    %dma_wait3A_307 = arith.constant 3 : i32
    %dma_wait3A_308 = arith.constant 384 : i32
    %dma_wait3A_309 = arith.constant 0 : i32
    %dma_wait3A_310 = tpu.memref_slice %arg15[%dma_wait3A_308, %dma_wait3A_309] : memref<512x32xf32, #tpu.memory_space<vmem>> -> memref<128x32xf32, #tpu.memory_space<vmem>>
    %dma_wait3A_311 = arith.constant 0 : i32
    %dma_wait3A_312 = tpu.memref_slice %arg11[%dma_wait3A_307, %dma_wait3A_311] : memref<4x128xi32, #tpu.memory_space<vmem>> -> memref<1x128xi32, #tpu.memory_space<vmem>>
    %dma_wait3A_313 = tpu.memref_squeeze %dma_wait3A_312 : memref<1x128xi32, #tpu.memory_space<vmem>> -> memref<128xi32, #tpu.memory_space<vmem>>
    %dma_wait3A_314 = arith.constant 0 : i32
    %dma_wait3A_315 = arith.constant 0 : i32
    %dma_wait3A_316 = tpu.memref_slice %arg6[%dma_wait3A_314, %dma_wait3A_315] : memref<1000000x32xf32, #tpu.memory_space<hbm>> -> memref<1000000x32xf32, #tpu.memory_space<hbm>>
    tpu.wait_indirect_dma semaphore(%arg18 : memref<!tpu.dma_semaphore, #tpu.memory_space<semaphore_mem>>) src(%dma_wait3A_316 : memref<1000000x32xf32, #tpu.memory_space<hbm>>) dst(%dma_wait3A_310 : memref<128x32xf32, #tpu.memory_space<vmem>>)
    %dma_wait3A_317 = arith.constant 3 : i32
    %dma_wait3A_318 = arith.constant 384 : i32
    %dma_wait3A_319 = arith.constant 0 : i32
    %dma_wait3A_320 = tpu.memref_slice %arg16[%dma_wait3A_318, %dma_wait3A_319] : memref<512x32xf32, #tpu.memory_space<vmem>> -> memref<128x32xf32, #tpu.memory_space<vmem>>
    %dma_wait3A_321 = arith.constant 0 : i32
    %dma_wait3A_322 = tpu.memref_slice %arg12[%dma_wait3A_317, %dma_wait3A_321] : memref<4x128xi32, #tpu.memory_space<vmem>> -> memref<1x128xi32, #tpu.memory_space<vmem>>
    %dma_wait3A_323 = tpu.memref_squeeze %dma_wait3A_322 : memref<1x128xi32, #tpu.memory_space<vmem>> -> memref<128xi32, #tpu.memory_space<vmem>>
    %dma_wait3A_324 = arith.constant 0 : i32
    %dma_wait3A_325 = arith.constant 0 : i32
    %dma_wait3A_326 = tpu.memref_slice %arg7[%dma_wait3A_324, %dma_wait3A_325] : memref<1000000x32xf32, #tpu.memory_space<hbm>> -> memref<1000000x32xf32, #tpu.memory_space<hbm>>
    tpu.wait_indirect_dma semaphore(%arg18 : memref<!tpu.dma_semaphore, #tpu.memory_space<semaphore_mem>>) src(%dma_wait3A_326 : memref<1000000x32xf32, #tpu.memory_space<hbm>>) dst(%dma_wait3A_320 : memref<128x32xf32, #tpu.memory_space<vmem>>)
    "tpu.region"() ({
      %run_scoped3A = tpu.sem_alloc : memref<!tpu.dma_semaphore, #tpu.memory_space<semaphore_mem>>
      %dma_start3A_327 = arith.constant 0 : i32
      %dma_start3A_328 = tpu.memref_slice %arg9[%mul3A_2, %dma_start3A_327] : memref<16384x32xf32, #tpu.memory_space<hbm>> -> memref<512x32xf32, #tpu.memory_space<hbm>>
      %dma_start3A_329 = arith.constant 0 : i32
      %dma_start3A_330 = tpu.memref_slice %arg9[%mul3A_2, %dma_start3A_329] : memref<16384x32xf32, #tpu.memory_space<hbm>> -> memref<512x32xf32, #tpu.memory_space<hbm>>
      tpu.enqueue_dma source(%arg15 : memref<512x32xf32, #tpu.memory_space<vmem>>) target(%dma_start3A_330 : memref<512x32xf32, #tpu.memory_space<hbm>>) target_semaphore(%run_scoped3A : memref<!tpu.dma_semaphore, #tpu.memory_space<semaphore_mem>>)
      %dma_wait3A_331 = arith.constant 0 : i32
      %dma_wait3A_332 = tpu.memref_slice %arg9[%mul3A_2, %dma_wait3A_331] : memref<16384x32xf32, #tpu.memory_space<hbm>> -> memref<512x32xf32, #tpu.memory_space<hbm>>
      %dma_wait3A_333 = arith.constant 0 : i32
      %dma_wait3A_334 = tpu.memref_slice %arg9[%mul3A_2, %dma_wait3A_333] : memref<16384x32xf32, #tpu.memory_space<hbm>> -> memref<512x32xf32, #tpu.memory_space<hbm>>
      tpu.wait_dma2 semaphore(%run_scoped3A : memref<!tpu.dma_semaphore, #tpu.memory_space<semaphore_mem>>) src(%arg15 : memref<512x32xf32, #tpu.memory_space<vmem>>) dst(%dma_wait3A_334 : memref<512x32xf32, #tpu.memory_space<hbm>>)
      tpu.yield
    }) : () -> ()
    "tpu.region"() ({
      %run_scoped3A = tpu.sem_alloc : memref<!tpu.dma_semaphore, #tpu.memory_space<semaphore_mem>>
      %dma_start3A_327 = arith.constant 0 : i32
      %dma_start3A_328 = tpu.memref_slice %arg10[%mul3A_2, %dma_start3A_327] : memref<16384x32xf32, #tpu.memory_space<hbm>> -> memref<512x32xf32, #tpu.memory_space<hbm>>
      %dma_start3A_329 = arith.constant 0 : i32
      %dma_start3A_330 = tpu.memref_slice %arg10[%mul3A_2, %dma_start3A_329] : memref<16384x32xf32, #tpu.memory_space<hbm>> -> memref<512x32xf32, #tpu.memory_space<hbm>>
      tpu.enqueue_dma source(%arg16 : memref<512x32xf32, #tpu.memory_space<vmem>>) target(%dma_start3A_330 : memref<512x32xf32, #tpu.memory_space<hbm>>) target_semaphore(%run_scoped3A : memref<!tpu.dma_semaphore, #tpu.memory_space<semaphore_mem>>)
      %dma_wait3A_331 = arith.constant 0 : i32
      %dma_wait3A_332 = tpu.memref_slice %arg10[%mul3A_2, %dma_wait3A_331] : memref<16384x32xf32, #tpu.memory_space<hbm>> -> memref<512x32xf32, #tpu.memory_space<hbm>>
      %dma_wait3A_333 = arith.constant 0 : i32
      %dma_wait3A_334 = tpu.memref_slice %arg10[%mul3A_2, %dma_wait3A_333] : memref<16384x32xf32, #tpu.memory_space<hbm>> -> memref<512x32xf32, #tpu.memory_space<hbm>>
      tpu.wait_dma2 semaphore(%run_scoped3A : memref<!tpu.dma_semaphore, #tpu.memory_space<semaphore_mem>>) src(%arg16 : memref<512x32xf32, #tpu.memory_space<vmem>>) dst(%dma_wait3A_334 : memref<512x32xf32, #tpu.memory_space<hbm>>)
      tpu.yield
    }) : () -> ()
    return
  }
}

module attributes {stable_mosaic.version = 14 : i64} {
  func.func @_mlp_body(%arg0: i32, %arg1: memref<2048x16xf32, #tpu.memory_space<vmem>>, %arg2: memref<2048x32xf32, #tpu.memory_space<vmem>>, %arg3: memref<2048x32xf32, #tpu.memory_space<vmem>>, %arg4: memref<32x64xf32, #tpu.memory_space<vmem>>, %arg5: memref<32x64xf32, #tpu.memory_space<vmem>>, %arg6: memref<1x64xf32, #tpu.memory_space<vmem>>, %arg7: memref<64x32xf32, #tpu.memory_space<vmem>>, %arg8: memref<1x32xf32, #tpu.memory_space<vmem>>, %arg9: memref<16x1xf32, #tpu.memory_space<vmem>>, %arg10: memref<32x1xf32, #tpu.memory_space<vmem>>, %arg11: memref<1x1xf32, #tpu.memory_space<vmem>>, %arg12: memref<2048x1xf32, #tpu.memory_space<vmem>>) attributes {dimension_semantics = [#tpu.dimension_semantics<arbitrary>], iteration_bounds = array<i64: 8>, scalar_prefetch = 0 : i64, scratch_operands = 0 : i64, tpu.core_type = #tpu.core_type<tc>, window_params = [{transform_indices = @transform_0, window_bounds = array<i64: 2048, 16>}, {transform_indices = @transform_1, window_bounds = array<i64: 2048, 32>}, {transform_indices = @transform_2, window_bounds = array<i64: 2048, 32>}, {pipeline_mode = #tpu.pipeline_mode<synchronous>, transform_indices = @transform_3, window_bounds = array<i64: 32, 64>}, {pipeline_mode = #tpu.pipeline_mode<synchronous>, transform_indices = @transform_4, window_bounds = array<i64: 32, 64>}, {pipeline_mode = #tpu.pipeline_mode<synchronous>, transform_indices = @transform_5, window_bounds = array<i64: 1, 64>}, {pipeline_mode = #tpu.pipeline_mode<synchronous>, transform_indices = @transform_6, window_bounds = array<i64: 64, 32>}, {pipeline_mode = #tpu.pipeline_mode<synchronous>, transform_indices = @transform_7, window_bounds = array<i64: 1, 32>}, {pipeline_mode = #tpu.pipeline_mode<synchronous>, transform_indices = @transform_8, window_bounds = array<i64: 16, 1>}, {pipeline_mode = #tpu.pipeline_mode<synchronous>, transform_indices = @transform_9, window_bounds = array<i64: 32, 1>}, {pipeline_mode = #tpu.pipeline_mode<synchronous>, transform_indices = @transform_10, window_bounds = array<i64: 1, 1>}, {transform_indices = @transform_11, window_bounds = array<i64: 2048, 1>}]} {
    %get3A = arith.constant 0 : index
    %get3A_0 = arith.constant 0 : index
    %get3A_1 = vector.load %arg2[%get3A, %get3A_0] : memref<2048x32xf32, #tpu.memory_space<vmem>>, vector<2048x32xf32>
    %get3A_2 = arith.constant 0 : index
    %get3A_3 = arith.constant 0 : index
    %get3A_4 = vector.load %arg4[%get3A_2, %get3A_3] : memref<32x64xf32, #tpu.memory_space<vmem>>, vector<32x64xf32>
    %dot_general3A = arith.constant dense<0.000000e+00> : vector<2048x64xf32>
    %dot_general3A_5 = tpu.matmul %get3A_1, %get3A_4, %dot_general3A {dimension_numbers = #tpu.dot_dimension_numbers<[1], [0], [0], [1], [0, 0, 1, 1], [], []>, transpose_lhs_hint = false} : vector<2048x32xf32>, vector<32x64xf32>, vector<2048x64xf32> -> vector<2048x64xf32>
    %get3A_6 = arith.constant 0 : index
    %get3A_7 = arith.constant 0 : index
    %get3A_8 = vector.load %arg3[%get3A_6, %get3A_7] : memref<2048x32xf32, #tpu.memory_space<vmem>>, vector<2048x32xf32>
    %get3A_9 = arith.constant 0 : index
    %get3A_10 = arith.constant 0 : index
    %get3A_11 = vector.load %arg5[%get3A_9, %get3A_10] : memref<32x64xf32, #tpu.memory_space<vmem>>, vector<32x64xf32>
    %dot_general3A_12 = arith.constant dense<0.000000e+00> : vector<2048x64xf32>
    %dot_general3A_13 = tpu.matmul %get3A_8, %get3A_11, %dot_general3A_12 {dimension_numbers = #tpu.dot_dimension_numbers<[1], [0], [0], [1], [0, 0, 1, 1], [], []>, transpose_lhs_hint = false} : vector<2048x32xf32>, vector<32x64xf32>, vector<2048x64xf32> -> vector<2048x64xf32>
    %add3A = arith.addf %dot_general3A_5, %dot_general3A_13 : vector<2048x64xf32>
    %get3A_14 = arith.constant 0 : index
    %get3A_15 = arith.constant 0 : index
    %get3A_16 = vector.load %arg6[%get3A_14, %get3A_15] : memref<1x64xf32, #tpu.memory_space<vmem>>, vector<1x64xf32>
    %add3A_17 = vector.broadcast %get3A_16 : vector<1x64xf32> to vector<2048x64xf32>
    %add3A_18 = arith.addf %add3A, %add3A_17 : vector<2048x64xf32>
    %max3A = arith.constant 0.000000e+00 : f32
    %max3A_19 = vector.broadcast %max3A : f32 to vector<2048x64xf32>
    %max3A_20 = arith.maximumf %add3A_18, %max3A_19 : vector<2048x64xf32>
    %get3A_21 = arith.constant 0 : index
    %get3A_22 = arith.constant 0 : index
    %get3A_23 = vector.load %arg7[%get3A_21, %get3A_22] : memref<64x32xf32, #tpu.memory_space<vmem>>, vector<64x32xf32>
    %dot_general3A_24 = arith.constant dense<0.000000e+00> : vector<2048x32xf32>
    %dot_general3A_25 = tpu.matmul %max3A_20, %get3A_23, %dot_general3A_24 {dimension_numbers = #tpu.dot_dimension_numbers<[1], [0], [0], [1], [0, 0, 1, 1], [], []>, transpose_lhs_hint = false} : vector<2048x64xf32>, vector<64x32xf32>, vector<2048x32xf32> -> vector<2048x32xf32>
    %get3A_26 = arith.constant 0 : index
    %get3A_27 = arith.constant 0 : index
    %get3A_28 = vector.load %arg8[%get3A_26, %get3A_27] : memref<1x32xf32, #tpu.memory_space<vmem>>, vector<1x32xf32>
    %add3A_29 = vector.broadcast %get3A_28 : vector<1x32xf32> to vector<2048x32xf32>
    %add3A_30 = arith.addf %dot_general3A_25, %add3A_29 : vector<2048x32xf32>
    %max3A_31 = arith.constant 0.000000e+00 : f32
    %max3A_32 = vector.broadcast %max3A_31 : f32 to vector<2048x32xf32>
    %max3A_33 = arith.maximumf %add3A_30, %max3A_32 : vector<2048x32xf32>
    %get3A_34 = arith.constant 0 : index
    %get3A_35 = arith.constant 0 : index
    %get3A_36 = vector.load %arg1[%get3A_34, %get3A_35] : memref<2048x16xf32, #tpu.memory_space<vmem>>, vector<2048x16xf32>
    %get3A_37 = arith.constant 0 : index
    %get3A_38 = arith.constant 0 : index
    %get3A_39 = vector.load %arg9[%get3A_37, %get3A_38] : memref<16x1xf32, #tpu.memory_space<vmem>>, vector<16x1xf32>
    %dot_general3A_40 = arith.constant dense<0.000000e+00> : vector<2048x1xf32>
    %dot_general3A_41 = tpu.matmul %get3A_36, %get3A_39, %dot_general3A_40 {dimension_numbers = #tpu.dot_dimension_numbers<[1], [0], [0], [1], [0, 0, 1, 1], [], []>, transpose_lhs_hint = false} : vector<2048x16xf32>, vector<16x1xf32>, vector<2048x1xf32> -> vector<2048x1xf32>
    %get3A_42 = arith.constant 0 : index
    %get3A_43 = arith.constant 0 : index
    %get3A_44 = vector.load %arg10[%get3A_42, %get3A_43] : memref<32x1xf32, #tpu.memory_space<vmem>>, vector<32x1xf32>
    %dot_general3A_45 = arith.constant dense<0.000000e+00> : vector<2048x1xf32>
    %dot_general3A_46 = tpu.matmul %max3A_33, %get3A_44, %dot_general3A_45 {dimension_numbers = #tpu.dot_dimension_numbers<[1], [0], [0], [1], [0, 0, 1, 1], [], []>, transpose_lhs_hint = false} : vector<2048x32xf32>, vector<32x1xf32>, vector<2048x1xf32> -> vector<2048x1xf32>
    %add3A_47 = arith.addf %dot_general3A_41, %dot_general3A_46 : vector<2048x1xf32>
    %get3A_48 = arith.constant 0 : index
    %get3A_49 = arith.constant 0 : index
    %get3A_50 = vector.load %arg11[%get3A_48, %get3A_49] : memref<1x1xf32, #tpu.memory_space<vmem>>, vector<1x1xf32>
    %add3A_51 = vector.broadcast %get3A_50 : vector<1x1xf32> to vector<2048x1xf32>
    %add3A_52 = arith.addf %add3A_47, %add3A_51 : vector<2048x1xf32>
    %swap3A = arith.constant 0 : index
    %swap3A_53 = arith.constant 0 : index
    %swap3A_54 = vector.load %arg12[%swap3A, %swap3A_53] : memref<2048x1xf32, #tpu.memory_space<vmem>>, vector<2048x1xf32>
    tpu.vector_store %arg12[%swap3A, %swap3A_53], %add3A_52 {strides = array<i32>} : memref<2048x1xf32, #tpu.memory_space<vmem>>, vector<2048x1xf32>,
    return
  }
  func.func @transform_0(%arg0: i32) -> (i32, i32) {
    %c0_i32 = arith.constant 0 : i32
    %c0_i32_0 = arith.constant 0 : i32
    return %arg0, %c0_i32 : i32, i32
  }
  func.func @transform_1(%arg0: i32) -> (i32, i32) {
    %c0_i32 = arith.constant 0 : i32
    %c0_i32_0 = arith.constant 0 : i32
    return %arg0, %c0_i32 : i32, i32
  }
  func.func @transform_2(%arg0: i32) -> (i32, i32) {
    %c0_i32 = arith.constant 0 : i32
    %c0_i32_0 = arith.constant 0 : i32
    return %arg0, %c0_i32 : i32, i32
  }
  func.func @transform_3(%arg0: i32) -> (i32, i32) {
    %c0_i32 = arith.constant 0 : i32
    %c0_i32_0 = arith.constant 0 : i32
    %c0_i32_1 = arith.constant 0 : i32
    return %c0_i32, %c0_i32_0 : i32, i32
  }
  func.func @transform_4(%arg0: i32) -> (i32, i32) {
    %c0_i32 = arith.constant 0 : i32
    %c0_i32_0 = arith.constant 0 : i32
    %c0_i32_1 = arith.constant 0 : i32
    return %c0_i32, %c0_i32_0 : i32, i32
  }
  func.func @transform_5(%arg0: i32) -> (i32, i32) {
    %c0_i32 = arith.constant 0 : i32
    %c0_i32_0 = arith.constant 0 : i32
    %c0_i32_1 = arith.constant 0 : i32
    return %c0_i32, %c0_i32_0 : i32, i32
  }
  func.func @transform_6(%arg0: i32) -> (i32, i32) {
    %c0_i32 = arith.constant 0 : i32
    %c0_i32_0 = arith.constant 0 : i32
    %c0_i32_1 = arith.constant 0 : i32
    return %c0_i32, %c0_i32_0 : i32, i32
  }
  func.func @transform_7(%arg0: i32) -> (i32, i32) {
    %c0_i32 = arith.constant 0 : i32
    %c0_i32_0 = arith.constant 0 : i32
    %c0_i32_1 = arith.constant 0 : i32
    return %c0_i32, %c0_i32_0 : i32, i32
  }
  func.func @transform_8(%arg0: i32) -> (i32, i32) {
    %c0_i32 = arith.constant 0 : i32
    %c0_i32_0 = arith.constant 0 : i32
    %c0_i32_1 = arith.constant 0 : i32
    return %c0_i32, %c0_i32_0 : i32, i32
  }
  func.func @transform_9(%arg0: i32) -> (i32, i32) {
    %c0_i32 = arith.constant 0 : i32
    %c0_i32_0 = arith.constant 0 : i32
    %c0_i32_1 = arith.constant 0 : i32
    return %c0_i32, %c0_i32_0 : i32, i32
  }
  func.func @transform_10(%arg0: i32) -> (i32, i32) {
    %c0_i32 = arith.constant 0 : i32
    %c0_i32_0 = arith.constant 0 : i32
    %c0_i32_1 = arith.constant 0 : i32
    return %c0_i32, %c0_i32_0 : i32, i32
  }
  func.func @transform_11(%arg0: i32) -> (i32, i32) {
    %c0_i32 = arith.constant 0 : i32
    %c0_i32_0 = arith.constant 0 : i32
    return %arg0, %c0_i32 : i32, i32
  }
}

</mosaic_0001>

<sc_bundles>
// kernel: kernel.4.cloned.1.call-start
scs
__scs_entry_jumppad:
0x0: {  	(pc) =	sbr.rel $0x88, $3  }
0x1: {  	(tag) =	ssettag $0x0;
	lr =	simm.s32 $0x1  }
0x2: {  	[smem:$0x3F95] =	sst lr;
	_ =	strace $0xD0000000  }
0x3: {  	_ = 	snop  }
0x4: {  	_ = 	snop  }
0x5: {  	_ = 	snop  }
0x6: {  	_ = 	snop  }
0x7: {  	_ = 	snop  }
__scs_overlays_trampoline_lowered:
0x8: {  	[smem:$0x3FA4] =	sst s0  }
0x9: {  	[smem:$0x3FA5] =	sst s1  }
0xa: {  	[smem:$0x3FA6] =	sst s2  }
0xb: {  	[smem:$0x3FA7] =	sst s3  }
0xc: {  	[smem:$0x3FA8] =	sst s4  }
0xd: {  	[smem:$0x3FA9] =	sst s5  }
0xe: {  	[smem:$0x3FAA] =	sst s6  }
0xf: {  	[smem:$0x3FAB] =	sst s7  }
0x10: {  	[smem:$0x3FAC] =	sst s8  }
0x11: {  	[smem:$0x3FAD] =	sst s9;
	s0 =	simm.s32 @!p0 $0x0  }
0x12: {  	s1 =	sld [smem:$0x3F93];
	s0 =	simm.s32 @p0 $0x1  }
0x13: {  	[smem:$0x3FAE] =	sst s0;
	s0 =	simm.s32 @!p1 $0x0  }
0x14: {  	s2 =	sld [smem:$0x3F92];
	s0 =	simm.s32 @p1 $0x1  }
0x15: {  	[smem:$0x3FAF] =	sst s0;
	s0 =	simm.s32 @!p2 $0x0  }
0x16: {  	s3 =	sld [smem:$0x3FDB];
	s0 =	simm.s32 @p2 $0x1  }
0x17: {  	s4 =	simm.s32 $0x1BF5;
	[smem:$0x3FB1] =	sst s0  }
0x18: {  	s0 =	sld [smem:$0x3F94];
	_ =	swait.ge [sflag:s4], $0x0  }
0x19: {  	s7 =	sld [smem:$0x3F95]  }
0x1a: {  	s8 =	sadd.s32 $0xFFFFE003, lr  }
0x1b: {  	s9 =	sadd.s32 $0xFFFFFEF7, lr;
	s5 =	simm.s32 $0xFFFFFFFF;
	p2 =	slt.u32 s8, $0xFFFFF086  }
0x1c: {  	p1 =	slt.u32 s9, $0xF7A;
	s5 =	simm.s32 @!p2 $0x0  }
0x1d: {  	s5 =	simm.s32 @p1 $0x1;
	p0 =	seq.s32 s7, s2  }
0x1e: {  	s7 =	smul.u32 @!p0 $0xF7A, s2;
	p2 =	seq.s32 @!p0 s5, $0x0  }
0x1f: {  	s9 =	smul.u32 $0xF7A, s1;
	s8 =	simm.s32 @!p0 $0x1BF5;
	p2 =	por !p2, p0  }
0x20: {  	[sflag:s8] =	ssyncset.s32 @!p0 $0xFFFFF086;
	s6 =	sadd.s32 @!p0 s3, s7;
	s7 =	simm.s32 @!p0 $0x108  }
0x21: {  	s3 =	sadd.s32 s3, s9;
	s6 =	sadd.s32 @!p0 $0x88, s6;
	s7 =	simm.s32 @p2 $0x1082  }
0x22: {  	[simem:s7], [sflag:s8] =	dma.local @!p0 [hbm:s6], $0xF7A  }
0x23: {  	s9 =	sor.u32 $0xD0000000, s2;
	s6 =	simm.s32 $0x108;
	_ =	swait.ge @!p0 [sflag:s8], $0x0  }
0x24: {  	s3 =	sadd.s32 $0x88, s3;
	s6 =	simm.s32 @!p1 $0x1082;
	[sflag:s4] =	ssyncset.s32 $0xFFFFF086  }
0x25: {  	[simem:s6], [sflag:s4] =	dma.local [hbm:s3], $0xF7A  }
0x26: {  	[smem:$0x3F95] =	sst s1;
	(tag) =	ssettag s2;
	_ =	strace s9  }
0x27: {  	s1 =	sld [smem:$0x3FA5]  }
0x28: {  	s2 =	sld [smem:$0x3FA6]  }
0x29: {  	s4 =	sld [smem:$0x3FA8]  }
0x2a: {  	p0 =	seq.s32 s5, $0x0;
	s5 =	sld [smem:$0x3FA9]  }
0x2b: {  	s6 =	sld [smem:$0x3FAA]  }
0x2c: {  	s7 =	sld [smem:$0x3FAB]  }
0x2d: {  	s3 =	simm.s32 $0x108;
	s8 =	sld [smem:$0x3FAC]  }
0x2e: {  	s3 =	simm.s32 @!p0 $0x1082;
	s9 =	sld [smem:$0x3FAD]  }
0x2f: {  	lr =	sadd.s32 s0, s3;
	s0 =	sld [smem:$0x3FA4]  }
0x30: {  	s3 =	sld [smem:$0x3FA7]  }
0x31: {  	[smem:$0x3FB0] =	sst s10  }
0x32: {  	s10 =	sld [smem:$0x3FAE];
	_ =	sdelay $0x3  }
0x33: {  	p0 =	seq.s32 s10, $0x1;
	s10 =	sld [smem:$0x3FB0];
	_ =	sdelay $0x3  }
0x34: {  	[smem:$0x3FB0] =	sst s10  }
0x35: {  	s10 =	sld [smem:$0x3FAF];
	_ =	sdelay $0x3  }
0x36: {  	p1 =	seq.s32 s10, $0x1;
	s10 =	sld [smem:$0x3FB0];
	_ =	sdelay $0x3  }
0x37: {  	[smem:$0x3FB0] =	sst s10  }
0x38: {  	s10 =	sld [smem:$0x3FB1]  }
0x39: {  	_ = 	snop;
	(pc) =	sbr.ind lr, $3  }
0x3a: {  	_ = 	snop  }
0x3b: {  	_ = 	snop  }
0x3c: {  	p2 =	seq.s32 s10, $0x1;
	s10 =	sld [smem:$0x3FB0]  }
0x3d: {  	_ =	shalt  }
0x3e: {  	_ =	shalt  }
0x3f: {  	_ =	shalt  }
0x40: {  	_ =	shalt  }
0x41: {  	_ =	shalt  }
0x42: {  	_ =	shalt  }
0x43: {  	_ =	shalt  }
0x44: {  	_ =	shalt  }
0x45: {  	_ =	shalt  }
0x46: {  	_ =	shalt  }
0x47: {  	_ =	shalt  }
0x48: {  	_ =	shalt  }
0x49: {  	_ =	shalt  }
0x4a: {  	_ =	shalt  }
0x4b: {  	_ =	shalt  }
0x4c: {  	_ =	shalt  }
0x4d: {  	_ =	shalt  }
0x4e: {  	_ =	shalt  }
0x4f: {  	_ =	shalt  }
0x50: {  	_ =	shalt  }
0x51: {  	_ =	shalt  }
0x52: {  	_ =	shalt  }
0x53: {  	_ =	shalt  }
0x54: {  	_ =	shalt  }
0x55: {  	_ =	shalt  }
0x56: {  	_ =	shalt  }
0x57: {  	_ =	shalt  }
0x58: {  	_ =	shalt  }
0x59: {  	_ =	shalt  }
0x5a: {  	_ =	shalt  }
0x5b: {  	_ =	shalt  }
0x5c: {  	_ =	shalt  }
0x5d: {  	_ =	shalt  }
0x5e: {  	_ =	shalt  }
0x5f: {  	_ =	shalt  }
0x60: {  	_ =	shalt  }
0x61: {  	_ =	shalt  }
0x62: {  	_ =	shalt  }
0x63: {  	_ =	shalt  }
0x64: {  	_ =	shalt  }
0x65: {  	_ =	shalt  }
0x66: {  	_ =	shalt  }
0x67: {  	_ =	shalt  }
0x68: {  	_ =	shalt  }
0x69: {  	_ =	shalt  }
0x6a: {  	_ =	shalt  }
0x6b: {  	_ =	shalt  }
0x6c: {  	_ =	shalt  }
0x6d: {  	_ =	shalt  }
0x6e: {  	_ =	shalt  }
0x6f: {  	_ =	shalt  }
0x70: {  	_ =	shalt  }
0x71: {  	_ =	shalt  }
0x72: {  	_ =	shalt  }
0x73: {  	_ =	shalt  }
0x74: {  	_ =	shalt  }
0x75: {  	_ =	shalt  }
0x76: {  	_ =	shalt  }
0x77: {  	_ =	shalt  }
0x78: {  	_ =	shalt  }
0x79: {  	_ =	shalt  }
0x7a: {  	_ =	shalt  }
0x7b: {  	_ =	shalt  }
0x7c: {  	_ =	shalt  }
0x7d: {  	_ =	shalt  }
0x7e: {  	_ =	shalt  }
0x7f: {  	_ =	shalt  }
0x80: {  	_ =	shalt  }
0x81: {  	_ =	shalt  }
0x82: {  	_ =	shalt  }
0x83: {  	_ =	shalt  }
0x84: {  	_ =	shalt  }
0x85: {  	_ =	shalt  }
0x86: {  	_ =	shalt  }
0x87: {  	_ =	shalt  }
.Lfunc_end0:
.L_simem_size_0:
called_computation_lowered:
.L_overlay_start_0:
0x88: {  	s2 =	sld [smem:$0x3FD9]  }
0x89: {  	s3 =	sld [smem:$0x3FFE];
	_ =	sdelay $0x1  }
0x8a: {  	s1 =	srdreg.scid  }
0x8b: {  	s0 =	sand.u32 $0x1, s1  }
0x8c: {  	s17 =	sshll.u32 s0, $0xA;
	s2 =	sadd.s32 s3, s2  }
0x8d: {  	s2 =	sadd.s32 s2, s17  }
0x8e: {  	[smem:$0x3FBC] =	sst s2  }
0x8f: {  	_ = 	snop  }
0x90: {  	s2 =	sld [smem:$0x3FC9]  }
0x91: {  	s18 =	sld [smem:$0x3FC8];
	(tm) =	ssettm $0x1  }
0x92: {  	s4 =	sld [smem:$0x3FFB];
	_ =	sdelay $0x3  }
0x93: {  	_ =	strace s4  }
0x94: {  	s4 =	sld [smem:$0x3FFC];
	_ =	sdelay $0x3  }
0x95: {  	_ =	strace s4  }
0x96: {  	s4 =	sld [smem:$0x3FFD];
	_ =	sdelay $0x3  }
0x97: {  	_ =	strace s4  }
0x98: {  	_ =	strace $0x8FFFFFFF  }
0x99: {  	s19 =	sld [smem:$0x3FDB];
	_ =	sdelay $0x1  }
0x9a: {  	s5 =	simm.s32 $_scs_section_size  }
0x9b: {  	s6 =	simm.s32 $_size__tile_overlayer_lowered;
	s7 =	simm.s32 $_tile_overlayer_lowered  }
0x9c: {  	s22 =	simm.s32 $0x1BFF;
	s21 =	sshll.u32 s7, $0x1;
	s4 =	sadd.s32 s5, s19  }
0x9d: {  	s8 =	simm.s32 $0x0;
	s20 =	sshll.u32 s6, $0x1;
	s6 =	sadd.s32 s21, s4  }
0x9e: {  	[timem:s8], [sflag:s22] =	dma.local [hbm:s6], s20  }
0x9f: {  	_ =	swait.ge [sflag:s22], s20  }
0xa0: {  	s5 =	ssub.s32 $0x0, s20;
	[sflag:s22] =	ssyncset.done $0x0  }
0xa1: {  	[sflag:s22] =	ssyncadd.s32 s5;
	_ =	sdelay $0x1  }
0xa2: {  	s23 =	simm.s32 $0x1B8B  }
0xa3: {  	_ =	swait.ge [sflag:s23], $0x1  }
0xa4: {  	[sflag:s23] =	ssyncset.done $0x0  }
0xa5: {  	s25 =	simm.s32 $0x1B8E;
	s24 =	sld [smem:$0x3FFE];
	[sflag:s23] =	ssyncadd.s32 $0xFFFFFFFF  }
0xa6: {  	s26 =	simm.s32 $execute0_lowered;
	[smem:$0x3FD2] =	sst s25  }
0xa7: {  	s6 =	sshll.u32 s26, $0x1;
	_ =	strace $0x80000046;
	[dreg:$0x1] =	wrdreg $0xFFFFFFFF  }
0xa8: {  	s28 =	simm.s32 $_size_execute0_lowered;
	s4 =	sadd.s32 s4, s6;
	[dreg:$0x0] =	wrdreg $0x0  }
0xa9: {  	s6 =	sshll.u32 s28, $0x1;
	[dreg:$0x2] =	wrdreg s4  }
0xaa: {  	[dreg:$0x3] =	wrdreg s6  }
0xab: {  	[dreg:$0x4] =	wrdreg $0xC0  }
0xac: {  	_ =	task [dreg:s8], $0x5FFFF  }
0xad: {  	[dreg:$0x1] =	wrdreg $0xFFFFFFFF  }
0xae: {  	[dreg:$0x0] =	wrdreg $0x60  }
0xaf: {  	[dreg:$0x2] =	wrdreg s2  }
0xb0: {  	[dreg:$0x3] =	wrdreg s18  }
0xb1: {  	[dreg:$0x4] =	wrdreg s24  }
0xb2: {  	[dreg:$0x5] =	wrdreg $0x9  }
0xb3: {  	_ =	task.clear_ibuf [dreg:s8], $0x6FFFF;
	_ =	strace $0x90000046  }
0xb4: {  	s29 =	simm.s32 $0x9;
	_ =	strace $0x80000048  }
0xb5: {  	_ =	swait.ge [sflag:s29], $0x1  }
0xb6: {  	[sflag:s29] =	ssyncadd.s32 $0xFFFFFFFF  }
0xb7: {  	_ =	strace $0x90000048  }
0xb8: {  	_ =	sfence  }
0xb9: {  	s30 =	sld [smem:$0x0];
	_ =	sdelay $0x2  }
0xba: {  	s31 =	sshll.u32 s1, $0xD;
	s1 =	sshrl.u32 s1, $0x2  }
0xbb: {  	s3 =	sand.u32 $0x4000, s31;
	s1 =	sadd.s32 s1, s30  }
0xbc: {  	s0 =	sor.u32 s3, s0;
	s1 =	sshll.u32 s1, $0x11  }
0xbd: {  	s0 =	sor.u32 s1, s0  }
0xbe: {  	s0 =	sadd.s32 $0x8F2B, s0  }
0xbf: {  	[sflag:s0] =	ssyncadd.remote.s32 $0x1  }
0xc0: {  	_ =	sfence.sel $0xFFFF  }
0xc1: {  	[dreg:$0x0] =	wrdreg $0xFFFFFFFF;
	(pc) =	sbr.abs _section_cstart, $3  }
0xc2: {  	[dreg:$0x1] =	wrdreg $0xFFFFFFFF  }
0xc3: {  	_ =	task.clear_ibuf [dreg:s8], $0x2FFFF;
	_ =	strace $0x9FFFFFFF  }
0xc4: {  	(tm) =	ssettm $0x7FFFFFFF  }
0xc5: {  	_ =	shalt  }
tec
execute0_lowered:
.L_overlay_start_1:
0x0: {  	(tag) =	ssettag $0x1  }
0x1: {  	s0 =	rddreg [dreg:$0x0]  }
0x2: {  	s1 =	rddreg [dreg:$0x1]  }
0x3: {  	s7 =	rddreg [dreg:$0x2];
	s2 =	simm.s32 $0x0  }
0x4: {  	s3 =	srdreg.scid;
	s4 =	stileid.u32;
	s13 =	simm.s32 $0x3  }
0x5: {  	s14 =	simm.s32 $0x200;
	s15 =	simm.s32 $0x80;
	s16 =	simm.s32 $0x400  }
0x6: {  	s18 =	simm.s32 $0x4400;
	s19 =	simm.s32 $0x8400;
	s21 =	simm.s32 $0x280  }
0x7: {  	s25 =	simm.s32 $0x100;
	s28 =	simm.s32 $0x300;
	s17 =	simm.s32 $0x380  }
0x8: {  	s22 =	simm.s32 $0x7400;
	s23 =	simm.s32 $0xB400;
	s24 =	simm.s32 $0x1  }
0x9: {  	s26 =	simm.s32 $0x2;
	s8 =	sand.u32 $0x1, s3;
	s3 =	sadd.s32 $0x18CD200, s7  }
0xa: {  	s29 =	simm.s32 $0x0;
	s6 =	sshll.u32 s4, $0xA;
	s4 =	sadd.s32 $0x16E4C00, s7  }
0xb: {  	[smem:$0x7FF] =	sst s2;
	s5 =	sadd.s32 $0x1314200, s7;
	s9 =	sshll.u32 s8, $0x9  }
0xc: {  	_ =	strace $0x80000047;
	s8 =	ssub.s32 $0x2, s8;
	s9 =	sor.u32 s9, s6  }
0xd: {  	s6 =	sadd.s32 $0xF43800, s7;
	s12 =	sshrl.u32 s8, $0x1;
	s10 =	sshll.u32 s9, $0x1  }
0xe: {  	s11 =	sshll.u32 s9, $0x2;
	s12 =	ssub.s32 s8, s12;
	s31 =	sshrl.u32 s9, $0x3  }
0xf: {  	s10 =	sadd.s32 s10, s7;
	s11 =	sadd.s32 s11, s7;
	s7 =	sadd.s32 s0, s31  }
0x10: {  	s8 =	sadd.s32 s1, s31;
	s12 =	smax.u32 s12, $0x1;
	s0 =	simm.s32 $0x180  }
0x11: {  	s9 =	sadd.s32 $0x21400, s10;
	s10 =	sadd.s32 $0x11400, s11;
	s11 =	sadd.s32 $0x1400, s11  }
.LBB2_1:
0x12: {  	[tilespmem:s2], [sflag:$0x3] =	stream.linear.gather [hbm4b:s7+s2], $0x200, $0x38;
	[tilespmem:$0xC400] =	vst v63  }
0x13: {  	_ =	swait.ge [sflag:s13], $0x200  }
0x14: {  	[sflag:s13] =	ssyncset.done $0x0  }
0x15: {  	[sflag:s13] =	ssyncadd.s32 $0xFFFFFE00  }
0x16: {  	[tilespmem:s14], [sflag:$0x3] =	stream.linear.gather [hbm4b:s8+s2], $0x200, $0x38;
	[tilespmem:$0xC400] =	vst v63  }
0x17: {  	_ =	swait.ge [sflag:s13], $0x200  }
0x18: {  	[sflag:s13] =	ssyncset.done $0x0  }
0x19: {  	[sflag:s13] =	ssyncadd.s32 $0xFFFFFE00  }
0x1a: {  	[tilespmem:s16], [sflag:$0x1] =	stream.indirect.gather [hbm4b:s3+s15], $0x10, s2, s15, $0xb8;
	[tilespmem:$0xC400] =	vst v63  }
0x1b: {  	s1 =	simm.s32 $0x2400  }
0x1c: {  	[tilespmem:s1], [sflag:$0x1] =	stream.indirect.gather [hbm4b:s4+s15], $0x10, s14, s15, $0xb8;
	[tilespmem:$0xC400] =	vst v63  }
0x1d: {  	_ = 	snop  }
0x1e: {  	[tilespmem:s18], [sflag:$0x2] =	stream.indirect.gather [hbm4b:s5+s15], $0x20, s2, s15, $0xb8;
	[tilespmem:$0xC400] =	vst v63  }
0x1f: {  	_ = 	snop  }
0x20: {  	[tilespmem:s19], [sflag:$0x2] =	stream.indirect.gather [hbm4b:s6+s15], $0x20, s14, s15, $0xb8;
	[tilespmem:$0xC400] =	vst v63  }
0x21: {  	s20 =	simm.s32 $0xC00  }
0x22: {  	[tilespmem:s20], [sflag:$0x1] =	stream.indirect.gather [hbm4b:s3+s15], $0x10, s15, s15, $0xb8;
	[tilespmem:$0xC400] =	vst v63  }
0x23: {  	s20 =	simm.s32 $0x2C00  }
0x24: {  	[tilespmem:s20], [sflag:$0x1] =	stream.indirect.gather [hbm4b:s4+s15], $0x10, s21, s15, $0xb8;
	[tilespmem:$0xC400] =	vst v63  }
0x25: {  	s20 =	simm.s32 $0x5400  }
0x26: {  	[tilespmem:s20], [sflag:$0x2] =	stream.indirect.gather [hbm4b:s5+s15], $0x20, s15, s15, $0xb8;
	[tilespmem:$0xC400] =	vst v63  }
0x27: {  	s20 =	simm.s32 $0x9400  }
0x28: {  	[tilespmem:s20], [sflag:$0x2] =	stream.indirect.gather [hbm4b:s6+s15], $0x20, s21, s15, $0xb8;
	[tilespmem:$0xC400] =	vst v63  }
0x29: {  	s20 =	simm.s32 $0x1400  }
0x2a: {  	[tilespmem:s20], [sflag:$0x1] =	stream.indirect.gather [hbm4b:s3+s15], $0x10, s25, s15, $0xb8;
	[tilespmem:$0xC400] =	vst v63  }
0x2b: {  	s20 =	simm.s32 $0x3400  }
0x2c: {  	[tilespmem:s20], [sflag:$0x1] =	stream.indirect.gather [hbm4b:s4+s15], $0x10, s28, s15, $0xb8;
	[tilespmem:$0xC400] =	vst v63  }
0x2d: {  	s20 =	simm.s32 $0x6400  }
0x2e: {  	[tilespmem:s20], [sflag:$0x2] =	stream.indirect.gather [hbm4b:s5+s15], $0x20, s25, s15, $0xb8;
	[tilespmem:$0xC400] =	vst v63  }
0x2f: {  	s20 =	simm.s32 $0xA400  }
0x30: {  	[tilespmem:s20], [sflag:$0x2] =	stream.indirect.gather [hbm4b:s6+s15], $0x20, s28, s15, $0xb8;
	[tilespmem:$0xC400] =	vst v63  }
0x31: {  	s20 =	simm.s32 $0x1C00  }
0x32: {  	[tilespmem:s20], [sflag:$0x1] =	stream.indirect.gather [hbm4b:s3+s15], $0x10, s0, s15, $0xb8;
	[tilespmem:$0xC400] =	vst v63  }
0x33: {  	s20 =	simm.s32 $0x3C00  }
0x34: {  	[tilespmem:s20], [sflag:$0x1] =	stream.indirect.gather [hbm4b:s4+s15], $0x10, s17, s15, $0xb8;
	[tilespmem:$0xC400] =	vst v63  }
0x35: {  	_ = 	snop  }
0x36: {  	[tilespmem:s22], [sflag:$0x2] =	stream.indirect.gather [hbm4b:s5+s15], $0x20, s0, s15, $0xb8;
	[tilespmem:$0xC400] =	vst v63  }
0x37: {  	_ = 	snop  }
0x38: {  	[tilespmem:s23], [sflag:$0x2] =	stream.indirect.gather [hbm4b:s6+s15], $0x20, s17, s15, $0xb8;
	[tilespmem:$0xC400] =	vst v63  }
0x39: {  	_ =	swait.ge [sflag:s24], $0x800  }
0x3a: {  	[sflag:s24] =	ssyncset.done $0x0  }
0x3b: {  	[sflag:s24] =	ssyncadd.s32 $0xFFFFF800  }
0x3c: {  	_ =	swait.ge [sflag:s24], $0x800  }
0x3d: {  	[sflag:s24] =	ssyncset.done $0x0  }
0x3e: {  	[sflag:s24] =	ssyncadd.s32 $0xFFFFF800  }
0x3f: {  	_ =	swait.ge [sflag:s24], $0x800  }
0x40: {  	[sflag:s24] =	ssyncset.done $0x0  }
0x41: {  	[sflag:s24] =	ssyncadd.s32 $0xFFFFF800  }
0x42: {  	_ =	swait.ge [sflag:s24], $0x800  }
0x43: {  	[sflag:s24] =	ssyncset.done $0x0  }
0x44: {  	[sflag:s24] =	ssyncadd.s32 $0xFFFFF800  }
0x45: {  	_ =	swait.ge [sflag:s24], $0x800  }
0x46: {  	[sflag:s24] =	ssyncset.done $0x0  }
0x47: {  	[sflag:s24] =	ssyncadd.s32 $0xFFFFF800  }
0x48: {  	_ =	swait.ge [sflag:s24], $0x800  }
0x49: {  	[sflag:s24] =	ssyncset.done $0x0  }
0x4a: {  	[sflag:s24] =	ssyncadd.s32 $0xFFFFF800  }
0x4b: {  	_ =	swait.ge [sflag:s24], $0x800  }
0x4c: {  	[sflag:s24] =	ssyncset.done $0x0  }
0x4d: {  	[sflag:s24] =	ssyncadd.s32 $0xFFFFF800  }
0x4e: {  	_ =	swait.ge [sflag:s24], $0x800  }
0x4f: {  	[sflag:s24] =	ssyncset.done $0x0  }
0x50: {  	s30 =	simm.s32 $0x440;
	[sflag:s24] =	ssyncadd.s32 $0xFFFFF800  }
0x51: {  	s31 =	simm.s32 $0x2440;
	v0 =	vld [tilespmem:s30+$0xFFFFFFC0]  }
0x52: {  	v1 =	vld [tilespmem:s31+$0xFFFFFFC0];
	_ =	sdelay $0x4  }
0x53: {  	v0 =	vmul.f32 v1, v0;
	_ =	sdelay $0x1  }
0x54: {  	[tilespmem:s30+$0xFFFFFFC0] =	vst v0;
	v0 =	vld [tilespmem:s30+$0xFFFFFFD0]  }
0x55: {  	v1 =	vld [tilespmem:s31+$0xFFFFFFD0];
	_ =	sdelay $0x4  }
0x56: {  	v0 =	vmul.f32 v1, v0;
	_ =	sdelay $0x1  }
0x57: {  	[tilespmem:s30+$0xFFFFFFD0] =	vst v0;
	v0 =	vld [tilespmem:s30+$0xFFFFFFE0]  }
0x58: {  	v1 =	vld [tilespmem:s31+$0xFFFFFFE0];
	_ =	sdelay $0x4  }
0x59: {  	v0 =	vmul.f32 v1, v0;
	_ =	sdelay $0x1  }
0x5a: {  	[tilespmem:s30+$0xFFFFFFE0] =	vst v0;
	v0 =	vld [tilespmem:s30+$0xFFFFFFF0]  }
0x5b: {  	v1 =	vld [tilespmem:s31+$0xFFFFFFF0];
	_ =	sdelay $0x4  }
0x5c: {  	v0 =	vmul.f32 v1, v0;
	_ =	sdelay $0x1  }
0x5d: {  	[tilespmem:s30+$0xFFFFFFF0] =	vst v0;
	v0 =	vld [tilespmem:s30+$0x0]  }
0x5e: {  	v1 =	vld [tilespmem:s31+$0x0];
	_ =	sdelay $0x4  }
0x5f: {  	v0 =	vmul.f32 v1, v0;
	_ =	sdelay $0x1  }
0x60: {  	[tilespmem:s30+$0x0] =	vst v0;
	v0 =	vld [tilespmem:s30+$0x10]  }
0x61: {  	v1 =	vld [tilespmem:s31+$0x10];
	_ =	sdelay $0x4  }
0x62: {  	v0 =	vmul.f32 v1, v0;
	_ =	sdelay $0x1  }
0x63: {  	[tilespmem:s30+$0x10] =	vst v0;
	v0 =	vld [tilespmem:s30+$0x20]  }
0x64: {  	v1 =	vld [tilespmem:s31+$0x20];
	_ =	sdelay $0x4  }
0x65: {  	v0 =	vmul.f32 v1, v0;
	_ =	sdelay $0x1  }
0x66: {  	[tilespmem:s30+$0x20] =	vst v0;
	v0 =	vld [tilespmem:s30+$0x30]  }
0x67: {  	v1 =	vld [tilespmem:s31+$0x30];
	_ =	sdelay $0x4  }
0x68: {  	v0 =	vmul.f32 v1, v0  }
0x69: {  	s1 =	simm.s32 $0x0;
	s20 =	simm.s32 $0x4C0  }
.LBB2_2:
0x6a: {  	v1 =	vld [tilespmem:s20+$0xFFFFFFC0];
	[tilespmem:s30+$0x30] =	vst v0;
	s31 =	sadd.s32 $0x80, s31;
	s30 =	smov.u32 s20  }
0x6b: {  	s1 =	sadd.s32 $0x8, s1;
	v0 =	vld [tilespmem:s31+$0xFFFFFFC0]  }
0x6c: {  	p0 =	slt.u32 s1, $0x1F8;
	_ =	sdelay $0x3  }
0x6d: {  	v0 =	vmul.f32 v0, v1;
	_ =	sdelay $0x1  }
0x6e: {  	[tilespmem:s20+$0xFFFFFFC0] =	vst v0;
	v0 =	vld [tilespmem:s20+$0xFFFFFFD0]  }
0x6f: {  	v1 =	vld [tilespmem:s31+$0xFFFFFFD0];
	_ =	sdelay $0x4  }
0x70: {  	v0 =	vmul.f32 v1, v0;
	_ =	sdelay $0x1  }
0x71: {  	[tilespmem:s20+$0xFFFFFFD0] =	vst v0;
	v0 =	vld [tilespmem:s20+$0xFFFFFFE0]  }
0x72: {  	v1 =	vld [tilespmem:s31+$0xFFFFFFE0];
	_ =	sdelay $0x4  }
0x73: {  	v0 =	vmul.f32 v1, v0;
	_ =	sdelay $0x1  }
0x74: {  	[tilespmem:s20+$0xFFFFFFE0] =	vst v0;
	v0 =	vld [tilespmem:s20+$0xFFFFFFF0]  }
0x75: {  	v1 =	vld [tilespmem:s31+$0xFFFFFFF0];
	_ =	sdelay $0x4  }
0x76: {  	v0 =	vmul.f32 v1, v0;
	_ =	sdelay $0x1  }
0x77: {  	[tilespmem:s20+$0xFFFFFFF0] =	vst v0;
	v0 =	vld [tilespmem:s20+$0x0]  }
0x78: {  	v1 =	vld [tilespmem:s31+$0x0];
	_ =	sdelay $0x4  }
0x79: {  	v0 =	vmul.f32 v1, v0;
	_ =	sdelay $0x1  }
0x7a: {  	[tilespmem:s20+$0x0] =	vst v0;
	v0 =	vld [tilespmem:s20+$0x10]  }
0x7b: {  	v1 =	vld [tilespmem:s31+$0x10];
	_ =	sdelay $0x4  }
0x7c: {  	v0 =	vmul.f32 v1, v0;
	_ =	sdelay $0x1  }
0x7d: {  	[tilespmem:s20+$0x10] =	vst v0;
	v0 =	vld [tilespmem:s20+$0x20]  }
0x7e: {  	v1 =	vld [tilespmem:s31+$0x20];
	_ =	sdelay $0x4  }
0x7f: {  	v0 =	vmul.f32 v1, v0;
	_ =	sdelay $0x1  }
0x80: {  	[tilespmem:s20+$0x20] =	vst v0;
	v0 =	vld [tilespmem:s20+$0x30]  }
0x81: {  	v1 =	vld [tilespmem:s31+$0x30];
	_ =	sdelay $0x1  }
.Ltmp0:
0x82: {  	(pc) =	sbr.rel @p0 .LBB2_2-.Ltmp0, $3  }
0x83: {  	_ =	sdelay $0x1  }
0x84: {  	v0 =	vmul.f32 v1, v0  }
0x85: {  	s20 =	sadd.s32 $0x80, s20  }
0x86: {  	[tilespmem:s30+$0x30] =	vst v0  }
0x87: {  	[hbm4b:s9+s2] =	stream.linear.scatter [tilespmem:s16], [sflag:$0x3], $0x2000, $0x38;
	[tilespmem:$0xC400] =	vst v63  }
0x88: {  	_ =	swait.ge [sflag:s13], $0x2000  }
0x89: {  	[sflag:s13] =	ssyncset.done $0x0  }
0x8a: {  	[sflag:s13] =	ssyncadd.s32 $0xFFFFE000  }
0x8b: {  	_ =	swait.ge [sflag:s26], $0x1000  }
0x8c: {  	[sflag:s26] =	ssyncset.done $0x0  }
0x8d: {  	[sflag:s26] =	ssyncadd.s32 $0xFFFFF000  }
0x8e: {  	_ =	swait.ge [sflag:s26], $0x1000  }
0x8f: {  	[sflag:s26] =	ssyncset.done $0x0  }
0x90: {  	[sflag:s26] =	ssyncadd.s32 $0xFFFFF000  }
0x91: {  	_ =	swait.ge [sflag:s26], $0x1000  }
0x92: {  	[sflag:s26] =	ssyncset.done $0x0  }
0x93: {  	[sflag:s26] =	ssyncadd.s32 $0xFFFFF000  }
0x94: {  	_ =	swait.ge [sflag:s26], $0x1000  }
0x95: {  	[sflag:s26] =	ssyncset.done $0x0  }
0x96: {  	[sflag:s26] =	ssyncadd.s32 $0xFFFFF000  }
0x97: {  	_ =	swait.ge [sflag:s26], $0x1000  }
0x98: {  	[sflag:s26] =	ssyncset.done $0x0  }
0x99: {  	[sflag:s26] =	ssyncadd.s32 $0xFFFFF000  }
0x9a: {  	_ =	swait.ge [sflag:s26], $0x1000  }
0x9b: {  	[sflag:s26] =	ssyncset.done $0x0  }
0x9c: {  	[sflag:s26] =	ssyncadd.s32 $0xFFFFF000  }
0x9d: {  	_ =	swait.ge [sflag:s26], $0x1000  }
0x9e: {  	[sflag:s26] =	ssyncset.done $0x0  }
0x9f: {  	[sflag:s26] =	ssyncadd.s32 $0xFFFFF000  }
0xa0: {  	_ =	swait.ge [sflag:s26], $0x1000  }
0xa1: {  	[sflag:s26] =	ssyncset.done $0x0  }
0xa2: {  	[sflag:s26] =	ssyncadd.s32 $0xFFFFF000  }
0xa3: {  	[hbm4b:s10+s2] =	stream.linear.scatter [tilespmem:s18], [sflag:$0x3], $0x4000, $0x38;
	[tilespmem:$0xC400] =	vst v63  }
0xa4: {  	s29 =	sadd.s32 $0x1, s29;
	_ =	swait.ge [sflag:s13], $0x4000  }
0xa5: {  	p0 =	sne.s32 s29, s12;
	[sflag:s13] =	ssyncset.done $0x0  }
.Ltmp1:
0xa6: {  	[sflag:s13] =	ssyncadd.s32 $0xFFFFC000;
	(pc) =	sbr.rel @p0 .LBB2_1-.Ltmp1, $4  }
0xa7: {  	[hbm4b:s11+s2] =	stream.linear.scatter [tilespmem:s19], [sflag:$0x3], $0x4000, $0x38;
	[tilespmem:$0xC400] =	vst v63  }
0xa8: {  	_ =	swait.ge [sflag:s13], $0x4000  }
0xa9: {  	[sflag:s13] =	ssyncset.done $0x0  }
0xaa: {  	[sflag:s13] =	ssyncadd.s32 $0xFFFFC000  }
0xab: {  	_ =	sfence.sel $0x180000  }
0xac: {  	[bflag:$0x0] =	sbarrier.arrive $0xFFFF  }
0xad: {  	_ =	strace $0x90000047  }
0xae: {  	s0 =	stileid.u32;
	[bflag:$0x2] =	sbarrier.arrive $0xFFFF  }
0xaf: {  	p0 =	sne.s32 s0, $0x0;
	s0 =	rddreg [dreg:$0x3]  }
0xb0: {  	s0 =	sadd.s32 @!p0 $0x100000, s0  }
0xb1: {  	[sflag:s0] =	ssyncadd.tile.s32 @!p0 $0x1;
	_ =	shalt  }
.Lfunc_end2:
_tile_overlayer_lowered:
.L_overlay_start_2:
0xb2: {  	(tag) =	ssettag $0x2  }
0xb3: {  	s0 =	rddreg [dreg:$0x0];
	s2 =	stileid.u32  }
0xb4: {  	s1 =	rddreg [dreg:$0x1];
	p0 =	sne.s32 s2, $0x0  }
0xb5: {  	s3 =	rddreg [dreg:$0x2];
	[bflag:$0x3] =	sbarrier.arrive $0xFFFF;
	s2 =	simm.s32 @!p0 $0x1C03  }
0xb6: {  	[timem:s3], [sflag:s2] =	dma.local @!p0 [hbm:s0], s1  }
0xb7: {  	s0 =	simm.s32 @!p0 $0x3  }
0xb8: {  	_ =	swait.ge @!p0 [sflag:s0], s1  }
0xb9: {  	s1 =	ssub.s32 @!p0 $0x0, s1;
	[sflag:s0] =	ssyncset.done @!p0 $0x0  }
0xba: {  	[sflag:s0] =	ssyncadd.s32 @!p0 s1  }
0xbb: {  	[bflag:$0x3] =	sbarrier.arrive $0xFFFF  }
0xbc: {  	_ =	shalt  }

</sc_bundles>
